<compile_context>
chip_gen: v7x
topology: tpu7x:2x2x1
jax: 0.10.2.dev20260603
libtpu: 0.0.44.dev20260713+nightly
codegen_flags: <defaults>
</compile_context>

<pallas_src>
import functools

import jax
import jax.numpy as jnp
from jax import lax
from jax.experimental import pallas as pl
from jax.experimental.pallas import tpu as pltpu
from jax.experimental.pallas import tpu_sc as plsc

NC = 2
NS = 16
NW = NC * NS
NBUF = 8
DP = 128


def _make_sc_gather(nb, h, d):
  rows_pw = nb // NW
  mesh = plsc.VectorSubcoreMesh(core_axis_name="c", subcore_axis_name="s")

  @functools.partial(
      pl.kernel,
      mesh=mesh,
      compiler_params=pltpu.CompilerParams(use_tc_tiling_on_sc=True),
      out_type=jax.ShapeDtypeStruct((nb, h, DP), jnp.float32),
      scratch_types=[
          pltpu.VMEM((rows_pw, h), jnp.int32),
          pltpu.VMEM((NBUF, h, DP), jnp.float32),
          pltpu.SemaphoreType.DMA((NBUF,)),
          pltpu.SemaphoreType.DMA((NBUF,)),
      ],
  )
  def sc_gather(idx_hbm, table_hbm, out_hbm, idx_v, rows_v, gsem, osem):
    wid = lax.axis_index("s") * NC + lax.axis_index("c")
    base = wid * rows_pw
    pltpu.sync_copy(idx_hbm.at[wid], idx_v)

    def g_start(j, b):
      pltpu.async_copy(table_hbm.at[idx_v.at[j]], rows_v.at[b], gsem.at[b])

    def g_wait(j, b):
      pltpu.make_async_copy(
          table_hbm.at[idx_v.at[j]], rows_v.at[b], gsem.at[b]).wait()

    def w_start(j, b):
      pltpu.async_copy(rows_v.at[b], out_hbm.at[base + j], osem.at[b])

    def w_wait(j, b):
      pltpu.make_async_copy(
          rows_v.at[b], out_hbm.at[base + j], osem.at[b]).wait()

    for b in range(NBUF):
      g_start(b, b)

    def body(j0, _):
      for b in range(NBUF):
        j = j0 + b
        g_wait(j, b)
        w_start(j, b)
        w_wait(j, b)
        g_start(j + NBUF, b)
      return ()

    lax.fori_loop(0, (rows_pw - NBUF) // NBUF,
                  lambda i, c: body(i * NBUF, c), (), unroll=False)

    for b in range(NBUF):
      j = rows_pw - NBUF + b
      g_wait(j, b)
      w_start(j, b)
    for b in range(NBUF):
      j = rows_pw - NBUF + b
      w_wait(j, b)

  return sc_gather


def kernel(inp, table):
  nb, h = inp.shape
  v, d = table.shape
  assert nb % (NW * NBUF) == 0
  table_p = jnp.pad(table, ((0, 0), (0, DP - d)))
  idx = inp.reshape(NW, nb // NW, h).astype(jnp.int32)
  fn = _make_sc_gather(nb, h, d)
  return fn(idx, table_p)[:, :, :d]

# --- scband reference (transcript-rebuilt; emitter-appended) ---
"""Pipeline reference for scband-overwriteable-embedding-60902636257517 (READ-ONLY COPY).

The authoritative reference and input builder live on the scoring server;
editing this copy changes nothing except your own understanding.
"""

import jax, jax.numpy as jnp
import numpy as np

VOCAB = 1000000
EMBED_DIM = 64
BATCH = 16384
HIST = 50

def setup_inputs(seed: int = 0) -> dict:
    key = jax.random.key(seed)
    k1, k2 = jax.random.split(key)
    inp = jax.random.randint(k1, (BATCH, HIST), 0, VOCAB, dtype=jnp.int64) if jax.config.jax_enable_x64 else jax.random.randint(k1, (BATCH, HIST), 0, VOCAB, dtype=jnp.int32)
    table = jax.random.normal(k2, (VOCAB, EMBED_DIM), dtype=jnp.float32) * 0.02
    return {"inp": inp, "table": table}

def reference(inp, table):
    # OverwriteableEmbedding.forward with overwrite_fct=None:
    # embds = self.embedding(inp); return embds
    embds = jnp.take(table, inp, axis=0)
    return embds

if __name__ == "__main__":
    import jax
    _d = setup_inputs()
    print(jax.jit(kernel)(*tuple(_d.values())))

</pallas_src>

<mosaic_0001>
#map = affine_map<(d0, d1) -> (0, 0, 0)>
#map1 = affine_map<(d0, d1) -> (0, 0)>
module attributes {stable_mosaic.version = 14 : i64} {
  func.func @sc_gather(%arg0: i32, %arg1: i32, %arg2: memref<32x512x50xi32, #tpu.memory_space<hbm>>, %arg3: memref<1000000x128xf32, #tpu.memory_space<hbm>>, %arg4: memref<16384x50x128xf32, #tpu.memory_space<hbm>>, %arg5: memref<512x50xi32, #tpu.memory_space<vmem>>, %arg6: memref<8x50x128xf32, #tpu.memory_space<vmem>>, %arg7: memref<8x!tpu.dma_semaphore, #tpu.memory_space<semaphore_mem>>, %arg8: memref<8x!tpu.dma_semaphore, #tpu.memory_space<semaphore_mem>>) attributes {dimension_semantics = [#tpu.dimension_semantics<core_parallel>, #tpu.dimension_semantics<subcore_parallel>], iteration_bounds = array<i64: 2, 16>, scalar_prefetch = 0 : i64, scratch_operands = 4 : i64, tpu.core_type = #tpu.core_type<sc_vector_subcore>, window_params = [{transform_indices = #map}, {transform_indices = #map1}, {transform_indices = #map}]} {
    %mul3A = arith.constant 2 : i32
    %mul3A_0 = arith.muli %arg1, %mul3A : i32
    %add3A = arith.addi %mul3A_0, %arg0 : i32
    %mul3A_1 = arith.constant 512 : i32
    %mul3A_2 = arith.muli %add3A, %mul3A_1 : i32
    "tpu.region"() ({
      %run_scoped3A = tpu.sem_alloc : memref<!tpu.dma_semaphore, #tpu.memory_space<semaphore_mem>>
      %dma_start3A_597 = arith.constant 0 : i32
      %dma_start3A_598 = arith.constant 0 : i32
      %dma_start3A_599 = tpu.memref_slice %arg2[%add3A, %dma_start3A_597, %dma_start3A_598] : memref<32x512x50xi32, #tpu.memory_space<hbm>> -> memref<1x512x50xi32, #tpu.memory_space<hbm>>
      %dma_start3A_600 = tpu.memref_squeeze %dma_start3A_599 : memref<1x512x50xi32, #tpu.memory_space<hbm>> -> memref<512x50xi32, #tpu.memory_space<hbm>>
      %dma_start3A_601 = arith.constant 0 : i32
      %dma_start3A_602 = arith.constant 0 : i32
      %dma_start3A_603 = tpu.memref_slice %arg2[%add3A, %dma_start3A_601, %dma_start3A_602] : memref<32x512x50xi32, #tpu.memory_space<hbm>> -> memref<1x512x50xi32, #tpu.memory_space<hbm>>
      %dma_start3A_604 = tpu.memref_squeeze %dma_start3A_603 : memref<1x512x50xi32, #tpu.memory_space<hbm>> -> memref<512x50xi32, #tpu.memory_space<hbm>>
      tpu.enqueue_dma source(%dma_start3A_604 : memref<512x50xi32, #tpu.memory_space<hbm>>) target(%arg5 : memref<512x50xi32, #tpu.memory_space<vmem>>) target_semaphore(%run_scoped3A : memref<!tpu.dma_semaphore, #tpu.memory_space<semaphore_mem>>)
      %dma_wait3A_605 = arith.constant 0 : i32
      %dma_wait3A_606 = arith.constant 0 : i32
      %dma_wait3A_607 = tpu.memref_slice %arg2[%add3A, %dma_wait3A_605, %dma_wait3A_606] : memref<32x512x50xi32, #tpu.memory_space<hbm>> -> memref<1x512x50xi32, #tpu.memory_space<hbm>>
      %dma_wait3A_608 = tpu.memref_squeeze %dma_wait3A_607 : memref<1x512x50xi32, #tpu.memory_space<hbm>> -> memref<512x50xi32, #tpu.memory_space<hbm>>
      %dma_wait3A_609 = arith.constant 0 : i32
      %dma_wait3A_610 = arith.constant 0 : i32
      %dma_wait3A_611 = tpu.memref_slice %arg2[%add3A, %dma_wait3A_609, %dma_wait3A_610] : memref<32x512x50xi32, #tpu.memory_space<hbm>> -> memref<1x512x50xi32, #tpu.memory_space<hbm>>
      %dma_wait3A_612 = tpu.memref_squeeze %dma_wait3A_611 : memref<1x512x50xi32, #tpu.memory_space<hbm>> -> memref<512x50xi32, #tpu.memory_space<hbm>>
      tpu.wait_dma2 semaphore(%run_scoped3A : memref<!tpu.dma_semaphore, #tpu.memory_space<semaphore_mem>>) src(%dma_wait3A_612 : memref<512x50xi32, #tpu.memory_space<hbm>>) dst(%arg5 : memref<512x50xi32, #tpu.memory_space<vmem>>)
      tpu.yield
    }) : () -> ()
    %dma_start3A = arith.constant 0 : i32
    %dma_start3A_3 = arith.constant 0 : i32
    %dma_start3A_4 = arith.constant 0 : i32
    %dma_start3A_5 = arith.constant 0 : i32
    %dma_start3A_6 = arith.constant 0 : i32
    %dma_start3A_7 = tpu.memref_slice %arg6[%dma_start3A_3, %dma_start3A_5, %dma_start3A_6] : memref<8x50x128xf32, #tpu.memory_space<vmem>> -> memref<1x50x128xf32, #tpu.memory_space<vmem>>
    %dma_start3A_8 = tpu.memref_squeeze %dma_start3A_7 : memref<1x50x128xf32, #tpu.memory_space<vmem>> -> memref<50x128xf32, #tpu.memory_space<vmem>>
    %dma_start3A_9 = arith.constant 0 : i32
    %dma_start3A_10 = tpu.memref_slice %arg5[%dma_start3A, %dma_start3A_9] : memref<512x50xi32, #tpu.memory_space<vmem>> -> memref<1x50xi32, #tpu.memory_space<vmem>>
    %dma_start3A_11 = tpu.memref_squeeze %dma_start3A_10 : memref<1x50xi32, #tpu.memory_space<vmem>> -> memref<50xi32, #tpu.memory_space<vmem>>
    %dma_start3A_12 = arith.constant 0 : i32
    %dma_start3A_13 = arith.constant 0 : i32
    %dma_start3A_14 = tpu.memref_slice %arg3[%dma_start3A_12, %dma_start3A_13] : memref<1000000x128xf32, #tpu.memory_space<hbm>> -> memref<1000000x128xf32, #tpu.memory_space<hbm>>
    %dma_start3A_15 = tpu.memref_slice %arg7[%dma_start3A_4] : memref<8x!tpu.dma_semaphore, #tpu.memory_space<semaphore_mem>> -> memref<1x!tpu.dma_semaphore, #tpu.memory_space<semaphore_mem>>
    %dma_start3A_16 = tpu.memref_squeeze %dma_start3A_15 : memref<1x!tpu.dma_semaphore, #tpu.memory_space<semaphore_mem>> -> memref<!tpu.dma_semaphore, #tpu.memory_space<semaphore_mem>>
    tpu.enqueue_indirect_dma source(%dma_start3A_14 : memref<1000000x128xf32, #tpu.memory_space<hbm>>) target(%dma_start3A_8 : memref<50x128xf32, #tpu.memory_space<vmem>>) offsets(%dma_start3A_11 : memref<50xi32, #tpu.memory_space<vmem>>) semaphore(%dma_start3A_16 : memref<!tpu.dma_semaphore, #tpu.memory_space<semaphore_mem>>)
    %dma_start3A_17 = arith.constant 1 : i32
    %dma_start3A_18 = arith.constant 1 : i32
    %dma_start3A_19 = arith.constant 1 : i32
    %dma_start3A_20 = arith.constant 0 : i32
    %dma_start3A_21 = arith.constant 0 : i32
    %dma_start3A_22 = tpu.memref_slice %arg6[%dma_start3A_18, %dma_start3A_20, %dma_start3A_21] : memref<8x50x128xf32, #tpu.memory_space<vmem>> -> memref<1x50x128xf32, #tpu.memory_space<vmem>>
    %dma_start3A_23 = tpu.memref_squeeze %dma_start3A_22 : memref<1x50x128xf32, #tpu.memory_space<vmem>> -> memref<50x128xf32, #tpu.memory_space<vmem>>
    %dma_start3A_24 = arith.constant 0 : i32
    %dma_start3A_25 = tpu.memref_slice %arg5[%dma_start3A_17, %dma_start3A_24] : memref<512x50xi32, #tpu.memory_space<vmem>> -> memref<1x50xi32, #tpu.memory_space<vmem>>
    %dma_start3A_26 = tpu.memref_squeeze %dma_start3A_25 : memref<1x50xi32, #tpu.memory_space<vmem>> -> memref<50xi32, #tpu.memory_space<vmem>>
    %dma_start3A_27 = arith.constant 0 : i32
    %dma_start3A_28 = arith.constant 0 : i32
    %dma_start3A_29 = tpu.memref_slice %arg3[%dma_start3A_27, %dma_start3A_28] : memref<1000000x128xf32, #tpu.memory_space<hbm>> -> memref<1000000x128xf32, #tpu.memory_space<hbm>>
    %dma_start3A_30 = tpu.memref_slice %arg7[%dma_start3A_19] : memref<8x!tpu.dma_semaphore, #tpu.memory_space<semaphore_mem>> -> memref<1x!tpu.dma_semaphore, #tpu.memory_space<semaphore_mem>>
    %dma_start3A_31 = tpu.memref_squeeze %dma_start3A_30 : memref<1x!tpu.dma_semaphore, #tpu.memory_space<semaphore_mem>> -> memref<!tpu.dma_semaphore, #tpu.memory_space<semaphore_mem>>
    tpu.enqueue_indirect_dma source(%dma_start3A_29 : memref<1000000x128xf32, #tpu.memory_space<hbm>>) target(%dma_start3A_23 : memref<50x128xf32, #tpu.memory_space<vmem>>) offsets(%dma_start3A_26 : memref<50xi32, #tpu.memory_space<vmem>>) semaphore(%dma_start3A_31 : memref<!tpu.dma_semaphore, #tpu.memory_space<semaphore_mem>>)
    %dma_start3A_32 = arith.constant 2 : i32
    %dma_start3A_33 = arith.constant 2 : i32
    %dma_start3A_34 = arith.constant 2 : i32
    %dma_start3A_35 = arith.constant 0 : i32
    %dma_start3A_36 = arith.constant 0 : i32
    %dma_start3A_37 = tpu.memref_slice %arg6[%dma_start3A_33, %dma_start3A_35, %dma_start3A_36] : memref<8x50x128xf32, #tpu.memory_space<vmem>> -> memref<1x50x128xf32, #tpu.memory_space<vmem>>
    %dma_start3A_38 = tpu.memref_squeeze %dma_start3A_37 : memref<1x50x128xf32, #tpu.memory_space<vmem>> -> memref<50x128xf32, #tpu.memory_space<vmem>>
    %dma_start3A_39 = arith.constant 0 : i32
    %dma_start3A_40 = tpu.memref_slice %arg5[%dma_start3A_32, %dma_start3A_39] : memref<512x50xi32, #tpu.memory_space<vmem>> -> memref<1x50xi32, #tpu.memory_space<vmem>>
    %dma_start3A_41 = tpu.memref_squeeze %dma_start3A_40 : memref<1x50xi32, #tpu.memory_space<vmem>> -> memref<50xi32, #tpu.memory_space<vmem>>
    %dma_start3A_42 = arith.constant 0 : i32
    %dma_start3A_43 = arith.constant 0 : i32
    %dma_start3A_44 = tpu.memref_slice %arg3[%dma_start3A_42, %dma_start3A_43] : memref<1000000x128xf32, #tpu.memory_space<hbm>> -> memref<1000000x128xf32, #tpu.memory_space<hbm>>
    %dma_start3A_45 = tpu.memref_slice %arg7[%dma_start3A_34] : memref<8x!tpu.dma_semaphore, #tpu.memory_space<semaphore_mem>> -> memref<1x!tpu.dma_semaphore, #tpu.memory_space<semaphore_mem>>
    %dma_start3A_46 = tpu.memref_squeeze %dma_start3A_45 : memref<1x!tpu.dma_semaphore, #tpu.memory_space<semaphore_mem>> -> memref<!tpu.dma_semaphore, #tpu.memory_space<semaphore_mem>>
    tpu.enqueue_indirect_dma source(%dma_start3A_44 : memref<1000000x128xf32, #tpu.memory_space<hbm>>) target(%dma_start3A_38 : memref<50x128xf32, #tpu.memory_space<vmem>>) offsets(%dma_start3A_41 : memref<50xi32, #tpu.memory_space<vmem>>) semaphore(%dma_start3A_46 : memref<!tpu.dma_semaphore, #tpu.memory_space<semaphore_mem>>)
    %dma_start3A_47 = arith.constant 3 : i32
    %dma_start3A_48 = arith.constant 3 : i32
    %dma_start3A_49 = arith.constant 3 : i32
    %dma_start3A_50 = arith.constant 0 : i32
    %dma_start3A_51 = arith.constant 0 : i32
    %dma_start3A_52 = tpu.memref_slice %arg6[%dma_start3A_48, %dma_start3A_50, %dma_start3A_51] : memref<8x50x128xf32, #tpu.memory_space<vmem>> -> memref<1x50x128xf32, #tpu.memory_space<vmem>>
    %dma_start3A_53 = tpu.memref_squeeze %dma_start3A_52 : memref<1x50x128xf32, #tpu.memory_space<vmem>> -> memref<50x128xf32, #tpu.memory_space<vmem>>
    %dma_start3A_54 = arith.constant 0 : i32
    %dma_start3A_55 = tpu.memref_slice %arg5[%dma_start3A_47, %dma_start3A_54] : memref<512x50xi32, #tpu.memory_space<vmem>> -> memref<1x50xi32, #tpu.memory_space<vmem>>
    %dma_start3A_56 = tpu.memref_squeeze %dma_start3A_55 : memref<1x50xi32, #tpu.memory_space<vmem>> -> memref<50xi32, #tpu.memory_space<vmem>>
    %dma_start3A_57 = arith.constant 0 : i32
    %dma_start3A_58 = arith.constant 0 : i32
    %dma_start3A_59 = tpu.memref_slice %arg3[%dma_start3A_57, %dma_start3A_58] : memref<1000000x128xf32, #tpu.memory_space<hbm>> -> memref<1000000x128xf32, #tpu.memory_space<hbm>>
    %dma_start3A_60 = tpu.memref_slice %arg7[%dma_start3A_49] : memref<8x!tpu.dma_semaphore, #tpu.memory_space<semaphore_mem>> -> memref<1x!tpu.dma_semaphore, #tpu.memory_space<semaphore_mem>>
    %dma_start3A_61 = tpu.memref_squeeze %dma_start3A_60 : memref<1x!tpu.dma_semaphore, #tpu.memory_space<semaphore_mem>> -> memref<!tpu.dma_semaphore, #tpu.memory_space<semaphore_mem>>
    tpu.enqueue_indirect_dma source(%dma_start3A_59 : memref<1000000x128xf32, #tpu.memory_space<hbm>>) target(%dma_start3A_53 : memref<50x128xf32, #tpu.memory_space<vmem>>) offsets(%dma_start3A_56 : memref<50xi32, #tpu.memory_space<vmem>>) semaphore(%dma_start3A_61 : memref<!tpu.dma_semaphore, #tpu.memory_space<semaphore_mem>>)
    %dma_start3A_62 = arith.constant 4 : i32
    %dma_start3A_63 = arith.constant 4 : i32
    %dma_start3A_64 = arith.constant 4 : i32
    %dma_start3A_65 = arith.constant 0 : i32
    %dma_start3A_66 = arith.constant 0 : i32
    %dma_start3A_67 = tpu.memref_slice %arg6[%dma_start3A_63, %dma_start3A_65, %dma_start3A_66] : memref<8x50x128xf32, #tpu.memory_space<vmem>> -> memref<1x50x128xf32, #tpu.memory_space<vmem>>
    %dma_start3A_68 = tpu.memref_squeeze %dma_start3A_67 : memref<1x50x128xf32, #tpu.memory_space<vmem>> -> memref<50x128xf32, #tpu.memory_space<vmem>>
    %dma_start3A_69 = arith.constant 0 : i32
    %dma_start3A_70 = tpu.memref_slice %arg5[%dma_start3A_62, %dma_start3A_69] : memref<512x50xi32, #tpu.memory_space<vmem>> -> memref<1x50xi32, #tpu.memory_space<vmem>>
    %dma_start3A_71 = tpu.memref_squeeze %dma_start3A_70 : memref<1x50xi32, #tpu.memory_space<vmem>> -> memref<50xi32, #tpu.memory_space<vmem>>
    %dma_start3A_72 = arith.constant 0 : i32
    %dma_start3A_73 = arith.constant 0 : i32
    %dma_start3A_74 = tpu.memref_slice %arg3[%dma_start3A_72, %dma_start3A_73] : memref<1000000x128xf32, #tpu.memory_space<hbm>> -> memref<1000000x128xf32, #tpu.memory_space<hbm>>
    %dma_start3A_75 = tpu.memref_slice %arg7[%dma_start3A_64] : memref<8x!tpu.dma_semaphore, #tpu.memory_space<semaphore_mem>> -> memref<1x!tpu.dma_semaphore, #tpu.memory_space<semaphore_mem>>
    %dma_start3A_76 = tpu.memref_squeeze %dma_start3A_75 : memref<1x!tpu.dma_semaphore, #tpu.memory_space<semaphore_mem>> -> memref<!tpu.dma_semaphore, #tpu.memory_space<semaphore_mem>>
    tpu.enqueue_indirect_dma source(%dma_start3A_74 : memref<1000000x128xf32, #tpu.memory_space<hbm>>) target(%dma_start3A_68 : memref<50x128xf32, #tpu.memory_space<vmem>>) offsets(%dma_start3A_71 : memref<50xi32, #tpu.memory_space<vmem>>) semaphore(%dma_start3A_76 : memref<!tpu.dma_semaphore, #tpu.memory_space<semaphore_mem>>)
    %dma_start3A_77 = arith.constant 5 : i32
    %dma_start3A_78 = arith.constant 5 : i32
    %dma_start3A_79 = arith.constant 5 : i32
    %dma_start3A_80 = arith.constant 0 : i32
    %dma_start3A_81 = arith.constant 0 : i32
    %dma_start3A_82 = tpu.memref_slice %arg6[%dma_start3A_78, %dma_start3A_80, %dma_start3A_81] : memref<8x50x128xf32, #tpu.memory_space<vmem>> -> memref<1x50x128xf32, #tpu.memory_space<vmem>>
    %dma_start3A_83 = tpu.memref_squeeze %dma_start3A_82 : memref<1x50x128xf32, #tpu.memory_space<vmem>> -> memref<50x128xf32, #tpu.memory_space<vmem>>
    %dma_start3A_84 = arith.constant 0 : i32
    %dma_start3A_85 = tpu.memref_slice %arg5[%dma_start3A_77, %dma_start3A_84] : memref<512x50xi32, #tpu.memory_space<vmem>> -> memref<1x50xi32, #tpu.memory_space<vmem>>
    %dma_start3A_86 = tpu.memref_squeeze %dma_start3A_85 : memref<1x50xi32, #tpu.memory_space<vmem>> -> memref<50xi32, #tpu.memory_space<vmem>>
    %dma_start3A_87 = arith.constant 0 : i32
    %dma_start3A_88 = arith.constant 0 : i32
    %dma_start3A_89 = tpu.memref_slice %arg3[%dma_start3A_87, %dma_start3A_88] : memref<1000000x128xf32, #tpu.memory_space<hbm>> -> memref<1000000x128xf32, #tpu.memory_space<hbm>>
    %dma_start3A_90 = tpu.memref_slice %arg7[%dma_start3A_79] : memref<8x!tpu.dma_semaphore, #tpu.memory_space<semaphore_mem>> -> memref<1x!tpu.dma_semaphore, #tpu.memory_space<semaphore_mem>>
    %dma_start3A_91 = tpu.memref_squeeze %dma_start3A_90 : memref<1x!tpu.dma_semaphore, #tpu.memory_space<semaphore_mem>> -> memref<!tpu.dma_semaphore, #tpu.memory_space<semaphore_mem>>
    tpu.enqueue_indirect_dma source(%dma_start3A_89 : memref<1000000x128xf32, #tpu.memory_space<hbm>>) target(%dma_start3A_83 : memref<50x128xf32, #tpu.memory_space<vmem>>) offsets(%dma_start3A_86 : memref<50xi32, #tpu.memory_space<vmem>>) semaphore(%dma_start3A_91 : memref<!tpu.dma_semaphore, #tpu.memory_space<semaphore_mem>>)
    %dma_start3A_92 = arith.constant 6 : i32
    %dma_start3A_93 = arith.constant 6 : i32
    %dma_start3A_94 = arith.constant 6 : i32
    %dma_start3A_95 = arith.constant 0 : i32
    %dma_start3A_96 = arith.constant 0 : i32
    %dma_start3A_97 = tpu.memref_slice %arg6[%dma_start3A_93, %dma_start3A_95, %dma_start3A_96] : memref<8x50x128xf32, #tpu.memory_space<vmem>> -> memref<1x50x128xf32, #tpu.memory_space<vmem>>
    %dma_start3A_98 = tpu.memref_squeeze %dma_start3A_97 : memref<1x50x128xf32, #tpu.memory_space<vmem>> -> memref<50x128xf32, #tpu.memory_space<vmem>>
    %dma_start3A_99 = arith.constant 0 : i32
    %dma_start3A_100 = tpu.memref_slice %arg5[%dma_start3A_92, %dma_start3A_99] : memref<512x50xi32, #tpu.memory_space<vmem>> -> memref<1x50xi32, #tpu.memory_space<vmem>>
    %dma_start3A_101 = tpu.memref_squeeze %dma_start3A_100 : memref<1x50xi32, #tpu.memory_space<vmem>> -> memref<50xi32, #tpu.memory_space<vmem>>
    %dma_start3A_102 = arith.constant 0 : i32
    %dma_start3A_103 = arith.constant 0 : i32
    %dma_start3A_104 = tpu.memref_slice %arg3[%dma_start3A_102, %dma_start3A_103] : memref<1000000x128xf32, #tpu.memory_space<hbm>> -> memref<1000000x128xf32, #tpu.memory_space<hbm>>
    %dma_start3A_105 = tpu.memref_slice %arg7[%dma_start3A_94] : memref<8x!tpu.dma_semaphore, #tpu.memory_space<semaphore_mem>> -> memref<1x!tpu.dma_semaphore, #tpu.memory_space<semaphore_mem>>
    %dma_start3A_106 = tpu.memref_squeeze %dma_start3A_105 : memref<1x!tpu.dma_semaphore, #tpu.memory_space<semaphore_mem>> -> memref<!tpu.dma_semaphore, #tpu.memory_space<semaphore_mem>>
    tpu.enqueue_indirect_dma source(%dma_start3A_104 : memref<1000000x128xf32, #tpu.memory_space<hbm>>) target(%dma_start3A_98 : memref<50x128xf32, #tpu.memory_space<vmem>>) offsets(%dma_start3A_101 : memref<50xi32, #tpu.memory_space<vmem>>) semaphore(%dma_start3A_106 : memref<!tpu.dma_semaphore, #tpu.memory_space<semaphore_mem>>)
    %dma_start3A_107 = arith.constant 7 : i32
    %dma_start3A_108 = arith.constant 7 : i32
    %dma_start3A_109 = arith.constant 7 : i32
    %dma_start3A_110 = arith.constant 0 : i32
    %dma_start3A_111 = arith.constant 0 : i32
    %dma_start3A_112 = tpu.memref_slice %arg6[%dma_start3A_108, %dma_start3A_110, %dma_start3A_111] : memref<8x50x128xf32, #tpu.memory_space<vmem>> -> memref<1x50x128xf32, #tpu.memory_space<vmem>>
    %dma_start3A_113 = tpu.memref_squeeze %dma_start3A_112 : memref<1x50x128xf32, #tpu.memory_space<vmem>> -> memref<50x128xf32, #tpu.memory_space<vmem>>
    %dma_start3A_114 = arith.constant 0 : i32
    %dma_start3A_115 = tpu.memref_slice %arg5[%dma_start3A_107, %dma_start3A_114] : memref<512x50xi32, #tpu.memory_space<vmem>> -> memref<1x50xi32, #tpu.memory_space<vmem>>
    %dma_start3A_116 = tpu.memref_squeeze %dma_start3A_115 : memref<1x50xi32, #tpu.memory_space<vmem>> -> memref<50xi32, #tpu.memory_space<vmem>>
    %dma_start3A_117 = arith.constant 0 : i32
    %dma_start3A_118 = arith.constant 0 : i32
    %dma_start3A_119 = tpu.memref_slice %arg3[%dma_start3A_117, %dma_start3A_118] : memref<1000000x128xf32, #tpu.memory_space<hbm>> -> memref<1000000x128xf32, #tpu.memory_space<hbm>>
    %dma_start3A_120 = tpu.memref_slice %arg7[%dma_start3A_109] : memref<8x!tpu.dma_semaphore, #tpu.memory_space<semaphore_mem>> -> memref<1x!tpu.dma_semaphore, #tpu.memory_space<semaphore_mem>>
    %dma_start3A_121 = tpu.memref_squeeze %dma_start3A_120 : memref<1x!tpu.dma_semaphore, #tpu.memory_space<semaphore_mem>> -> memref<!tpu.dma_semaphore, #tpu.memory_space<semaphore_mem>>
    tpu.enqueue_indirect_dma source(%dma_start3A_119 : memref<1000000x128xf32, #tpu.memory_space<hbm>>) target(%dma_start3A_113 : memref<50x128xf32, #tpu.memory_space<vmem>>) offsets(%dma_start3A_116 : memref<50xi32, #tpu.memory_space<vmem>>) semaphore(%dma_start3A_121 : memref<!tpu.dma_semaphore, #tpu.memory_space<semaphore_mem>>)
    %scan3A = arith.constant 0 : i32
    %scan3A_122 = arith.constant 63 : i32
    %scan3A_123 = arith.addi %scan3A, %scan3A_122 : i32
    %scan3A_124 = arith.constant 1 : i32
    scf.for %scan3A_597 = %scan3A to %scan3A_123 step %scan3A_124  : i32 {
      %mul3A_598 = arith.constant 8 : i32
      %mul3A_599 = arith.muli %scan3A_597, %mul3A_598 : i32
      %add3A_600 = arith.constant 0 : i32
      %add3A_601 = arith.addi %mul3A_599, %add3A_600 : i32
      %dma_wait3A_602 = arith.constant 0 : i32
      %dma_wait3A_603 = arith.constant 0 : i32
      %dma_wait3A_604 = arith.constant 0 : i32
      %dma_wait3A_605 = arith.constant 0 : i32
      %dma_wait3A_606 = tpu.memref_slice %arg6[%dma_wait3A_602, %dma_wait3A_604, %dma_wait3A_605] : memref<8x50x128xf32, #tpu.memory_space<vmem>> -> memref<1x50x128xf32, #tpu.memory_space<vmem>>
      %dma_wait3A_607 = tpu.memref_squeeze %dma_wait3A_606 : memref<1x50x128xf32, #tpu.memory_space<vmem>> -> memref<50x128xf32, #tpu.memory_space<vmem>>
      %dma_wait3A_608 = arith.constant 0 : i32
      %dma_wait3A_609 = tpu.memref_slice %arg5[%add3A_601, %dma_wait3A_608] : memref<512x50xi32, #tpu.memory_space<vmem>> -> memref<1x50xi32, #tpu.memory_space<vmem>>
      %dma_wait3A_610 = tpu.memref_squeeze %dma_wait3A_609 : memref<1x50xi32, #tpu.memory_space<vmem>> -> memref<50xi32, #tpu.memory_space<vmem>>
      %dma_wait3A_611 = arith.constant 0 : i32
      %dma_wait3A_612 = arith.constant 0 : i32
      %dma_wait3A_613 = tpu.memref_slice %arg3[%dma_wait3A_611, %dma_wait3A_612] : memref<1000000x128xf32, #tpu.memory_space<hbm>> -> memref<1000000x128xf32, #tpu.memory_space<hbm>>
      %dma_wait3A_614 = tpu.memref_slice %arg7[%dma_wait3A_603] : memref<8x!tpu.dma_semaphore, #tpu.memory_space<semaphore_mem>> -> memref<1x!tpu.dma_semaphore, #tpu.memory_space<semaphore_mem>>
      %dma_wait3A_615 = tpu.memref_squeeze %dma_wait3A_614 : memref<1x!tpu.dma_semaphore, #tpu.memory_space<semaphore_mem>> -> memref<!tpu.dma_semaphore, #tpu.memory_space<semaphore_mem>>
      tpu.wait_indirect_dma semaphore(%dma_wait3A_615 : memref<!tpu.dma_semaphore, #tpu.memory_space<semaphore_mem>>) src(%dma_wait3A_613 : memref<1000000x128xf32, #tpu.memory_space<hbm>>) dst(%dma_wait3A_607 : memref<50x128xf32, #tpu.memory_space<vmem>>)
      %add3A_616 = arith.addi %mul3A_2, %add3A_601 : i32
      %dma_start3A_617 = arith.constant 0 : i32
      %dma_start3A_618 = arith.constant 0 : i32
      %dma_start3A_619 = arith.constant 0 : i32
      %dma_start3A_620 = arith.constant 0 : i32
      %dma_start3A_621 = tpu.memref_slice %arg6[%dma_start3A_617, %dma_start3A_619, %dma_start3A_620] : memref<8x50x128xf32, #tpu.memory_space<vmem>> -> memref<1x50x128xf32, #tpu.memory_space<vmem>>
      %dma_start3A_622 = tpu.memref_squeeze %dma_start3A_621 : memref<1x50x128xf32, #tpu.memory_space<vmem>> -> memref<50x128xf32, #tpu.memory_space<vmem>>
      %dma_start3A_623 = arith.constant 0 : i32
      %dma_start3A_624 = arith.constant 0 : i32
      %dma_start3A_625 = tpu.memref_slice %arg4[%add3A_616, %dma_start3A_623, %dma_start3A_624] : memref<16384x50x128xf32, #tpu.memory_space<hbm>> -> memref<1x50x128xf32, #tpu.memory_space<hbm>>
      %dma_start3A_626 = tpu.memref_squeeze %dma_start3A_625 : memref<1x50x128xf32, #tpu.memory_space<hbm>> -> memref<50x128xf32, #tpu.memory_space<hbm>>
      %dma_start3A_627 = tpu.memref_slice %arg8[%dma_start3A_618] : memref<8x!tpu.dma_semaphore, #tpu.memory_space<semaphore_mem>> -> memref<1x!tpu.dma_semaphore, #tpu.memory_space<semaphore_mem>>
      %dma_start3A_628 = tpu.memref_squeeze %dma_start3A_627 : memref<1x!tpu.dma_semaphore, #tpu.memory_space<semaphore_mem>> -> memref<!tpu.dma_semaphore, #tpu.memory_space<semaphore_mem>>
      %dma_start3A_629 = arith.constant 0 : i32
      %dma_start3A_630 = arith.constant 0 : i32
      %dma_start3A_631 = tpu.memref_slice %arg4[%add3A_616, %dma_start3A_629, %dma_start3A_630] : memref<16384x50x128xf32, #tpu.memory_space<hbm>> -> memref<1x50x128xf32, #tpu.memory_space<hbm>>
      %dma_start3A_632 = tpu.memref_squeeze %dma_start3A_631 : memref<1x50x128xf32, #tpu.memory_space<hbm>> -> memref<50x128xf32, #tpu.memory_space<hbm>>
      %dma_start3A_633 = arith.constant 0 : i32
      %dma_start3A_634 = arith.constant 0 : i32
      %dma_start3A_635 = tpu.memref_slice %arg6[%dma_start3A_617, %dma_start3A_633, %dma_start3A_634] : memref<8x50x128xf32, #tpu.memory_space<vmem>> -> memref<1x50x128xf32, #tpu.memory_space<vmem>>
      %dma_start3A_636 = tpu.memref_squeeze %dma_start3A_635 : memref<1x50x128xf32, #tpu.memory_space<vmem>> -> memref<50x128xf32, #tpu.memory_space<vmem>>
      tpu.enqueue_dma source(%dma_start3A_636 : memref<50x128xf32, #tpu.memory_space<vmem>>) target(%dma_start3A_632 : memref<50x128xf32, #tpu.memory_space<hbm>>) target_semaphore(%dma_start3A_628 : memref<!tpu.dma_semaphore, #tpu.memory_space<semaphore_mem>>)
      %add3A_637 = arith.addi %mul3A_2, %add3A_601 : i32
      %dma_wait3A_638 = arith.constant 0 : i32
      %dma_wait3A_639 = arith.constant 0 : i32
      %dma_wait3A_640 = arith.constant 0 : i32
      %dma_wait3A_641 = arith.constant 0 : i32
      %dma_wait3A_642 = tpu.memref_slice %arg6[%dma_wait3A_638, %dma_wait3A_640, %dma_wait3A_641] : memref<8x50x128xf32, #tpu.memory_space<vmem>> -> memref<1x50x128xf32, #tpu.memory_space<vmem>>
      %dma_wait3A_643 = tpu.memref_squeeze %dma_wait3A_642 : memref<1x50x128xf32, #tpu.memory_space<vmem>> -> memref<50x128xf32, #tpu.memory_space<vmem>>
      %dma_wait3A_644 = arith.constant 0 : i32
      %dma_wait3A_645 = arith.constant 0 : i32
      %dma_wait3A_646 = tpu.memref_slice %arg4[%add3A_637, %dma_wait3A_644, %dma_wait3A_645] : memref<16384x50x128xf32, #tpu.memory_space<hbm>> -> memref<1x50x128xf32, #tpu.memory_space<hbm>>
      %dma_wait3A_647 = tpu.memref_squeeze %dma_wait3A_646 : memref<1x50x128xf32, #tpu.memory_space<hbm>> -> memref<50x128xf32, #tpu.memory_space<hbm>>
      %dma_wait3A_648 = tpu.memref_slice %arg8[%dma_wait3A_639] : memref<8x!tpu.dma_semaphore, #tpu.memory_space<semaphore_mem>> -> memref<1x!tpu.dma_semaphore, #tpu.memory_space<semaphore_mem>>
      %dma_wait3A_649 = tpu.memref_squeeze %dma_wait3A_648 : memref<1x!tpu.dma_semaphore, #tpu.memory_space<semaphore_mem>> -> memref<!tpu.dma_semaphore, #tpu.memory_space<semaphore_mem>>
      %dma_wait3A_650 = arith.constant 0 : i32
      %dma_wait3A_651 = arith.constant 0 : i32
      %dma_wait3A_652 = tpu.memref_slice %arg4[%add3A_637, %dma_wait3A_650, %dma_wait3A_651] : memref<16384x50x128xf32, #tpu.memory_space<hbm>> -> memref<1x50x128xf32, #tpu.memory_space<hbm>>
      %dma_wait3A_653 = tpu.memref_squeeze %dma_wait3A_652 : memref<1x50x128xf32, #tpu.memory_space<hbm>> -> memref<50x128xf32, #tpu.memory_space<hbm>>
      %dma_wait3A_654 = arith.constant 0 : i32
      %dma_wait3A_655 = arith.constant 0 : i32
      %dma_wait3A_656 = tpu.memref_slice %arg6[%dma_wait3A_638, %dma_wait3A_654, %dma_wait3A_655] : memref<8x50x128xf32, #tpu.memory_space<vmem>> -> memref<1x50x128xf32, #tpu.memory_space<vmem>>
      %dma_wait3A_657 = tpu.memref_squeeze %dma_wait3A_656 : memref<1x50x128xf32, #tpu.memory_space<vmem>> -> memref<50x128xf32, #tpu.memory_space<vmem>>
      tpu.wait_dma2 semaphore(%dma_wait3A_649 : memref<!tpu.dma_semaphore, #tpu.memory_space<semaphore_mem>>) src(%dma_wait3A_657 : memref<50x128xf32, #tpu.memory_space<vmem>>) dst(%dma_wait3A_653 : memref<50x128xf32, #tpu.memory_space<hbm>>)
      %add3A_658 = arith.constant 8 : i32
      %add3A_659 = arith.addi %add3A_601, %add3A_658 : i32
      %dma_start3A_660 = arith.constant 0 : i32
      %dma_start3A_661 = arith.constant 0 : i32
      %dma_start3A_662 = arith.constant 0 : i32
      %dma_start3A_663 = arith.constant 0 : i32
      %dma_start3A_664 = tpu.memref_slice %arg6[%dma_start3A_660, %dma_start3A_662, %dma_start3A_663] : memref<8x50x128xf32, #tpu.memory_space<vmem>> -> memref<1x50x128xf32, #tpu.memory_space<vmem>>
      %dma_start3A_665 = tpu.memref_squeeze %dma_start3A_664 : memref<1x50x128xf32, #tpu.memory_space<vmem>> -> memref<50x128xf32, #tpu.memory_space<vmem>>
      %dma_start3A_666 = arith.constant 0 : i32
      %dma_start3A_667 = tpu.memref_slice %arg5[%add3A_659, %dma_start3A_666] : memref<512x50xi32, #tpu.memory_space<vmem>> -> memref<1x50xi32, #tpu.memory_space<vmem>>
      %dma_start3A_668 = tpu.memref_squeeze %dma_start3A_667 : memref<1x50xi32, #tpu.memory_space<vmem>> -> memref<50xi32, #tpu.memory_space<vmem>>
      %dma_start3A_669 = arith.constant 0 : i32
      %dma_start3A_670 = arith.constant 0 : i32
      %dma_start3A_671 = tpu.memref_slice %arg3[%dma_start3A_669, %dma_start3A_670] : memref<1000000x128xf32, #tpu.memory_space<hbm>> -> memref<1000000x128xf32, #tpu.memory_space<hbm>>
      %dma_start3A_672 = tpu.memref_slice %arg7[%dma_start3A_661] : memref<8x!tpu.dma_semaphore, #tpu.memory_space<semaphore_mem>> -> memref<1x!tpu.dma_semaphore, #tpu.memory_space<semaphore_mem>>
      %dma_start3A_673 = tpu.memref_squeeze %dma_start3A_672 : memref<1x!tpu.dma_semaphore, #tpu.memory_space<semaphore_mem>> -> memref<!tpu.dma_semaphore, #tpu.memory_space<semaphore_mem>>
      tpu.enqueue_indirect_dma source(%dma_start3A_671 : memref<1000000x128xf32, #tpu.memory_space<hbm>>) target(%dma_start3A_665 : memref<50x128xf32, #tpu.memory_space<vmem>>) offsets(%dma_start3A_668 : memref<50xi32, #tpu.memory_space<vmem>>) semaphore(%dma_start3A_673 : memref<!tpu.dma_semaphore, #tpu.memory_space<semaphore_mem>>)
      %add3A_674 = arith.constant 1 : i32
      %add3A_675 = arith.addi %mul3A_599, %add3A_674 : i32
      %dma_wait3A_676 = arith.constant 1 : i32
      %dma_wait3A_677 = arith.constant 1 : i32
      %dma_wait3A_678 = arith.constant 0 : i32
      %dma_wait3A_679 = arith.constant 0 : i32
      %dma_wait3A_680 = tpu.memref_slice %arg6[%dma_wait3A_676, %dma_wait3A_678, %dma_wait3A_679] : memref<8x50x128xf32, #tpu.memory_space<vmem>> -> memref<1x50x128xf32, #tpu.memory_space<vmem>>
      %dma_wait3A_681 = tpu.memref_squeeze %dma_wait3A_680 : memref<1x50x128xf32, #tpu.memory_space<vmem>> -> memref<50x128xf32, #tpu.memory_space<vmem>>
      %dma_wait3A_682 = arith.constant 0 : i32
      %dma_wait3A_683 = tpu.memref_slice %arg5[%add3A_675, %dma_wait3A_682] : memref<512x50xi32, #tpu.memory_space<vmem>> -> memref<1x50xi32, #tpu.memory_space<vmem>>
      %dma_wait3A_684 = tpu.memref_squeeze %dma_wait3A_683 : memref<1x50xi32, #tpu.memory_space<vmem>> -> memref<50xi32, #tpu.memory_space<vmem>>
      %dma_wait3A_685 = arith.constant 0 : i32
      %dma_wait3A_686 = arith.constant 0 : i32
      %dma_wait3A_687 = tpu.memref_slice %arg3[%dma_wait3A_685, %dma_wait3A_686] : memref<1000000x128xf32, #tpu.memory_space<hbm>> -> memref<1000000x128xf32, #tpu.memory_space<hbm>>
      %dma_wait3A_688 = tpu.memref_slice %arg7[%dma_wait3A_677] : memref<8x!tpu.dma_semaphore, #tpu.memory_space<semaphore_mem>> -> memref<1x!tpu.dma_semaphore, #tpu.memory_space<semaphore_mem>>
      %dma_wait3A_689 = tpu.memref_squeeze %dma_wait3A_688 : memref<1x!tpu.dma_semaphore, #tpu.memory_space<semaphore_mem>> -> memref<!tpu.dma_semaphore, #tpu.memory_space<semaphore_mem>>
      tpu.wait_indirect_dma semaphore(%dma_wait3A_689 : memref<!tpu.dma_semaphore, #tpu.memory_space<semaphore_mem>>) src(%dma_wait3A_687 : memref<1000000x128xf32, #tpu.memory_space<hbm>>) dst(%dma_wait3A_681 : memref<50x128xf32, #tpu.memory_space<vmem>>)
      %add3A_690 = arith.addi %mul3A_2, %add3A_675 : i32
      %dma_start3A_691 = arith.constant 1 : i32
      %dma_start3A_692 = arith.constant 1 : i32
      %dma_start3A_693 = arith.constant 0 : i32
      %dma_start3A_694 = arith.constant 0 : i32
      %dma_start3A_695 = tpu.memref_slice %arg6[%dma_start3A_691, %dma_start3A_693, %dma_start3A_694] : memref<8x50x128xf32, #tpu.memory_space<vmem>> -> memref<1x50x128xf32, #tpu.memory_space<vmem>>
      %dma_start3A_696 = tpu.memref_squeeze %dma_start3A_695 : memref<1x50x128xf32, #tpu.memory_space<vmem>> -> memref<50x128xf32, #tpu.memory_space<vmem>>
      %dma_start3A_697 = arith.constant 0 : i32
      %dma_start3A_698 = arith.constant 0 : i32
      %dma_start3A_699 = tpu.memref_slice %arg4[%add3A_690, %dma_start3A_697, %dma_start3A_698] : memref<16384x50x128xf32, #tpu.memory_space<hbm>> -> memref<1x50x128xf32, #tpu.memory_space<hbm>>
      %dma_start3A_700 = tpu.memref_squeeze %dma_start3A_699 : memref<1x50x128xf32, #tpu.memory_space<hbm>> -> memref<50x128xf32, #tpu.memory_space<hbm>>
      %dma_start3A_701 = tpu.memref_slice %arg8[%dma_start3A_692] : memref<8x!tpu.dma_semaphore, #tpu.memory_space<semaphore_mem>> -> memref<1x!tpu.dma_semaphore, #tpu.memory_space<semaphore_mem>>
      %dma_start3A_702 = tpu.memref_squeeze %dma_start3A_701 : memref<1x!tpu.dma_semaphore, #tpu.memory_space<semaphore_mem>> -> memref<!tpu.dma_semaphore, #tpu.memory_space<semaphore_mem>>
      %dma_start3A_703 = arith.constant 0 : i32
      %dma_start3A_704 = arith.constant 0 : i32
      %dma_start3A_705 = tpu.memref_slice %arg4[%add3A_690, %dma_start3A_703, %dma_start3A_704] : memref<16384x50x128xf32, #tpu.memory_space<hbm>> -> memref<1x50x128xf32, #tpu.memory_space<hbm>>
      %dma_start3A_706 = tpu.memref_squeeze %dma_start3A_705 : memref<1x50x128xf32, #tpu.memory_space<hbm>> -> memref<50x128xf32, #tpu.memory_space<hbm>>
      %dma_start3A_707 = arith.constant 0 : i32
      %dma_start3A_708 = arith.constant 0 : i32
      %dma_start3A_709 = tpu.memref_slice %arg6[%dma_start3A_691, %dma_start3A_707, %dma_start3A_708] : memref<8x50x128xf32, #tpu.memory_space<vmem>> -> memref<1x50x128xf32, #tpu.memory_space<vmem>>
      %dma_start3A_710 = tpu.memref_squeeze %dma_start3A_709 : memref<1x50x128xf32, #tpu.memory_space<vmem>> -> memref<50x128xf32, #tpu.memory_space<vmem>>
      tpu.enqueue_dma source(%dma_start3A_710 : memref<50x128xf32, #tpu.memory_space<vmem>>) target(%dma_start3A_706 : memref<50x128xf32, #tpu.memory_space<hbm>>) target_semaphore(%dma_start3A_702 : memref<!tpu.dma_semaphore, #tpu.memory_space<semaphore_mem>>)
      %add3A_711 = arith.addi %mul3A_2, %add3A_675 : i32
      %dma_wait3A_712 = arith.constant 1 : i32
      %dma_wait3A_713 = arith.constant 1 : i32
      %dma_wait3A_714 = arith.constant 0 : i32
      %dma_wait3A_715 = arith.constant 0 : i32
      %dma_wait3A_716 = tpu.memref_slice %arg6[%dma_wait3A_712, %dma_wait3A_714, %dma_wait3A_715] : memref<8x50x128xf32, #tpu.memory_space<vmem>> -> memref<1x50x128xf32, #tpu.memory_space<vmem>>
      %dma_wait3A_717 = tpu.memref_squeeze %dma_wait3A_716 : memref<1x50x128xf32, #tpu.memory_space<vmem>> -> memref<50x128xf32, #tpu.memory_space<vmem>>
      %dma_wait3A_718 = arith.constant 0 : i32
      %dma_wait3A_719 = arith.constant 0 : i32
      %dma_wait3A_720 = tpu.memref_slice %arg4[%add3A_711, %dma_wait3A_718, %dma_wait3A_719] : memref<16384x50x128xf32, #tpu.memory_space<hbm>> -> memref<1x50x128xf32, #tpu.memory_space<hbm>>
      %dma_wait3A_721 = tpu.memref_squeeze %dma_wait3A_720 : memref<1x50x128xf32, #tpu.memory_space<hbm>> -> memref<50x128xf32, #tpu.memory_space<hbm>>
      %dma_wait3A_722 = tpu.memref_slice %arg8[%dma_wait3A_713] : memref<8x!tpu.dma_semaphore, #tpu.memory_space<semaphore_mem>> -> memref<1x!tpu.dma_semaphore, #tpu.memory_space<semaphore_mem>>
      %dma_wait3A_723 = tpu.memref_squeeze %dma_wait3A_722 : memref<1x!tpu.dma_semaphore, #tpu.memory_space<semaphore_mem>> -> memref<!tpu.dma_semaphore, #tpu.memory_space<semaphore_mem>>
      %dma_wait3A_724 = arith.constant 0 : i32
      %dma_wait3A_725 = arith.constant 0 : i32
      %dma_wait3A_726 = tpu.memref_slice %arg4[%add3A_711, %dma_wait3A_724, %dma_wait3A_725] : memref<16384x50x128xf32, #tpu.memory_space<hbm>> -> memref<1x50x128xf32, #tpu.memory_space<hbm>>
      %dma_wait3A_727 = tpu.memref_squeeze %dma_wait3A_726 : memref<1x50x128xf32, #tpu.memory_space<hbm>> -> memref<50x128xf32, #tpu.memory_space<hbm>>
      %dma_wait3A_728 = arith.constant 0 : i32
      %dma_wait3A_729 = arith.constant 0 : i32
      %dma_wait3A_730 = tpu.memref_slice %arg6[%dma_wait3A_712, %dma_wait3A_728, %dma_wait3A_729] : memref<8x50x128xf32, #tpu.memory_space<vmem>> -> memref<1x50x128xf32, #tpu.memory_space<vmem>>
      %dma_wait3A_731 = tpu.memref_squeeze %dma_wait3A_730 : memref<1x50x128xf32, #tpu.memory_space<vmem>> -> memref<50x128xf32, #tpu.memory_space<vmem>>
      tpu.wait_dma2 semaphore(%dma_wait3A_723 : memref<!tpu.dma_semaphore, #tpu.memory_space<semaphore_mem>>) src(%dma_wait3A_731 : memref<50x128xf32, #tpu.memory_space<vmem>>) dst(%dma_wait3A_727 : memref<50x128xf32, #tpu.memory_space<hbm>>)
      %add3A_732 = arith.constant 8 : i32
      %add3A_733 = arith.addi %add3A_675, %add3A_732 : i32
      %dma_start3A_734 = arith.constant 1 : i32
      %dma_start3A_735 = arith.constant 1 : i32
      %dma_start3A_736 = arith.constant 0 : i32
      %dma_start3A_737 = arith.constant 0 : i32
      %dma_start3A_738 = tpu.memref_slice %arg6[%dma_start3A_734, %dma_start3A_736, %dma_start3A_737] : memref<8x50x128xf32, #tpu.memory_space<vmem>> -> memref<1x50x128xf32, #tpu.memory_space<vmem>>
      %dma_start3A_739 = tpu.memref_squeeze %dma_start3A_738 : memref<1x50x128xf32, #tpu.memory_space<vmem>> -> memref<50x128xf32, #tpu.memory_space<vmem>>
      %dma_start3A_740 = arith.constant 0 : i32
      %dma_start3A_741 = tpu.memref_slice %arg5[%add3A_733, %dma_start3A_740] : memref<512x50xi32, #tpu.memory_space<vmem>> -> memref<1x50xi32, #tpu.memory_space<vmem>>
      %dma_start3A_742 = tpu.memref_squeeze %dma_start3A_741 : memref<1x50xi32, #tpu.memory_space<vmem>> -> memref<50xi32, #tpu.memory_space<vmem>>
      %dma_start3A_743 = arith.constant 0 : i32
      %dma_start3A_744 = arith.constant 0 : i32
      %dma_start3A_745 = tpu.memref_slice %arg3[%dma_start3A_743, %dma_start3A_744] : memref<1000000x128xf32, #tpu.memory_space<hbm>> -> memref<1000000x128xf32, #tpu.memory_space<hbm>>
      %dma_start3A_746 = tpu.memref_slice %arg7[%dma_start3A_735] : memref<8x!tpu.dma_semaphore, #tpu.memory_space<semaphore_mem>> -> memref<1x!tpu.dma_semaphore, #tpu.memory_space<semaphore_mem>>
      %dma_start3A_747 = tpu.memref_squeeze %dma_start3A_746 : memref<1x!tpu.dma_semaphore, #tpu.memory_space<semaphore_mem>> -> memref<!tpu.dma_semaphore, #tpu.memory_space<semaphore_mem>>
      tpu.enqueue_indirect_dma source(%dma_start3A_745 : memref<1000000x128xf32, #tpu.memory_space<hbm>>) target(%dma_start3A_739 : memref<50x128xf32, #tpu.memory_space<vmem>>) offsets(%dma_start3A_742 : memref<50xi32, #tpu.memory_space<vmem>>) semaphore(%dma_start3A_747 : memref<!tpu.dma_semaphore, #tpu.memory_space<semaphore_mem>>)
      %add3A_748 = arith.constant 2 : i32
      %add3A_749 = arith.addi %mul3A_599, %add3A_748 : i32
      %dma_wait3A_750 = arith.constant 2 : i32
      %dma_wait3A_751 = arith.constant 2 : i32
      %dma_wait3A_752 = arith.constant 0 : i32
      %dma_wait3A_753 = arith.constant 0 : i32
      %dma_wait3A_754 = tpu.memref_slice %arg6[%dma_wait3A_750, %dma_wait3A_752, %dma_wait3A_753] : memref<8x50x128xf32, #tpu.memory_space<vmem>> -> memref<1x50x128xf32, #tpu.memory_space<vmem>>
      %dma_wait3A_755 = tpu.memref_squeeze %dma_wait3A_754 : memref<1x50x128xf32, #tpu.memory_space<vmem>> -> memref<50x128xf32, #tpu.memory_space<vmem>>
      %dma_wait3A_756 = arith.constant 0 : i32
      %dma_wait3A_757 = tpu.memref_slice %arg5[%add3A_749, %dma_wait3A_756] : memref<512x50xi32, #tpu.memory_space<vmem>> -> memref<1x50xi32, #tpu.memory_space<vmem>>
      %dma_wait3A_758 = tpu.memref_squeeze %dma_wait3A_757 : memref<1x50xi32, #tpu.memory_space<vmem>> -> memref<50xi32, #tpu.memory_space<vmem>>
      %dma_wait3A_759 = arith.constant 0 : i32
      %dma_wait3A_760 = arith.constant 0 : i32
      %dma_wait3A_761 = tpu.memref_slice %arg3[%dma_wait3A_759, %dma_wait3A_760] : memref<1000000x128xf32, #tpu.memory_space<hbm>> -> memref<1000000x128xf32, #tpu.memory_space<hbm>>
      %dma_wait3A_762 = tpu.memref_slice %arg7[%dma_wait3A_751] : memref<8x!tpu.dma_semaphore, #tpu.memory_space<semaphore_mem>> -> memref<1x!tpu.dma_semaphore, #tpu.memory_space<semaphore_mem>>
      %dma_wait3A_763 = tpu.memref_squeeze %dma_wait3A_762 : memref<1x!tpu.dma_semaphore, #tpu.memory_space<semaphore_mem>> -> memref<!tpu.dma_semaphore, #tpu.memory_space<semaphore_mem>>
      tpu.wait_indirect_dma semaphore(%dma_wait3A_763 : memref<!tpu.dma_semaphore, #tpu.memory_space<semaphore_mem>>) src(%dma_wait3A_761 : memref<1000000x128xf32, #tpu.memory_space<hbm>>) dst(%dma_wait3A_755 : memref<50x128xf32, #tpu.memory_space<vmem>>)
      %add3A_764 = arith.addi %mul3A_2, %add3A_749 : i32
      %dma_start3A_765 = arith.constant 2 : i32
      %dma_start3A_766 = arith.constant 2 : i32
      %dma_start3A_767 = arith.constant 0 : i32
      %dma_start3A_768 = arith.constant 0 : i32
      %dma_start3A_769 = tpu.memref_slice %arg6[%dma_start3A_765, %dma_start3A_767, %dma_start3A_768] : memref<8x50x128xf32, #tpu.memory_space<vmem>> -> memref<1x50x128xf32, #tpu.memory_space<vmem>>
      %dma_start3A_770 = tpu.memref_squeeze %dma_start3A_769 : memref<1x50x128xf32, #tpu.memory_space<vmem>> -> memref<50x128xf32, #tpu.memory_space<vmem>>
      %dma_start3A_771 = arith.constant 0 : i32
      %dma_start3A_772 = arith.constant 0 : i32
      %dma_start3A_773 = tpu.memref_slice %arg4[%add3A_764, %dma_start3A_771, %dma_start3A_772] : memref<16384x50x128xf32, #tpu.memory_space<hbm>> -> memref<1x50x128xf32, #tpu.memory_space<hbm>>
      %dma_start3A_774 = tpu.memref_squeeze %dma_start3A_773 : memref<1x50x128xf32, #tpu.memory_space<hbm>> -> memref<50x128xf32, #tpu.memory_space<hbm>>
      %dma_start3A_775 = tpu.memref_slice %arg8[%dma_start3A_766] : memref<8x!tpu.dma_semaphore, #tpu.memory_space<semaphore_mem>> -> memref<1x!tpu.dma_semaphore, #tpu.memory_space<semaphore_mem>>
      %dma_start3A_776 = tpu.memref_squeeze %dma_start3A_775 : memref<1x!tpu.dma_semaphore, #tpu.memory_space<semaphore_mem>> -> memref<!tpu.dma_semaphore, #tpu.memory_space<semaphore_mem>>
      %dma_start3A_777 = arith.constant 0 : i32
      %dma_start3A_778 = arith.constant 0 : i32
      %dma_start3A_779 = tpu.memref_slice %arg4[%add3A_764, %dma_start3A_777, %dma_start3A_778] : memref<16384x50x128xf32, #tpu.memory_space<hbm>> -> memref<1x50x128xf32, #tpu.memory_space<hbm>>
      %dma_start3A_780 = tpu.memref_squeeze %dma_start3A_779 : memref<1x50x128xf32, #tpu.memory_space<hbm>> -> memref<50x128xf32, #tpu.memory_space<hbm>>
      %dma_start3A_781 = arith.constant 0 : i32
      %dma_start3A_782 = arith.constant 0 : i32
      %dma_start3A_783 = tpu.memref_slice %arg6[%dma_start3A_765, %dma_start3A_781, %dma_start3A_782] : memref<8x50x128xf32, #tpu.memory_space<vmem>> -> memref<1x50x128xf32, #tpu.memory_space<vmem>>
      %dma_start3A_784 = tpu.memref_squeeze %dma_start3A_783 : memref<1x50x128xf32, #tpu.memory_space<vmem>> -> memref<50x128xf32, #tpu.memory_space<vmem>>
      tpu.enqueue_dma source(%dma_start3A_784 : memref<50x128xf32, #tpu.memory_space<vmem>>) target(%dma_start3A_780 : memref<50x128xf32, #tpu.memory_space<hbm>>) target_semaphore(%dma_start3A_776 : memref<!tpu.dma_semaphore, #tpu.memory_space<semaphore_mem>>)
      %add3A_785 = arith.addi %mul3A_2, %add3A_749 : i32
      %dma_wait3A_786 = arith.constant 2 : i32
      %dma_wait3A_787 = arith.constant 2 : i32
      %dma_wait3A_788 = arith.constant 0 : i32
      %dma_wait3A_789 = arith.constant 0 : i32
      %dma_wait3A_790 = tpu.memref_slice %arg6[%dma_wait3A_786, %dma_wait3A_788, %dma_wait3A_789] : memref<8x50x128xf32, #tpu.memory_space<vmem>> -> memref<1x50x128xf32, #tpu.memory_space<vmem>>
      %dma_wait3A_791 = tpu.memref_squeeze %dma_wait3A_790 : memref<1x50x128xf32, #tpu.memory_space<vmem>> -> memref<50x128xf32, #tpu.memory_space<vmem>>
      %dma_wait3A_792 = arith.constant 0 : i32
      %dma_wait3A_793 = arith.constant 0 : i32
      %dma_wait3A_794 = tpu.memref_slice %arg4[%add3A_785, %dma_wait3A_792, %dma_wait3A_793] : memref<16384x50x128xf32, #tpu.memory_space<hbm>> -> memref<1x50x128xf32, #tpu.memory_space<hbm>>
      %dma_wait3A_795 = tpu.memref_squeeze %dma_wait3A_794 : memref<1x50x128xf32, #tpu.memory_space<hbm>> -> memref<50x128xf32, #tpu.memory_space<hbm>>
      %dma_wait3A_796 = tpu.memref_slice %arg8[%dma_wait3A_787] : memref<8x!tpu.dma_semaphore, #tpu.memory_space<semaphore_mem>> -> memref<1x!tpu.dma_semaphore, #tpu.memory_space<semaphore_mem>>
      %dma_wait3A_797 = tpu.memref_squeeze %dma_wait3A_796 : memref<1x!tpu.dma_semaphore, #tpu.memory_space<semaphore_mem>> -> memref<!tpu.dma_semaphore, #tpu.memory_space<semaphore_mem>>
      %dma_wait3A_798 = arith.constant 0 : i32
      %dma_wait3A_799 = arith.constant 0 : i32
      %dma_wait3A_800 = tpu.memref_slice %arg4[%add3A_785, %dma_wait3A_798, %dma_wait3A_799] : memref<16384x50x128xf32, #tpu.memory_space<hbm>> -> memref<1x50x128xf32, #tpu.memory_space<hbm>>
      %dma_wait3A_801 = tpu.memref_squeeze %dma_wait3A_800 : memref<1x50x128xf32, #tpu.memory_space<hbm>> -> memref<50x128xf32, #tpu.memory_space<hbm>>
      %dma_wait3A_802 = arith.constant 0 : i32
      %dma_wait3A_803 = arith.constant 0 : i32
      %dma_wait3A_804 = tpu.memref_slice %arg6[%dma_wait3A_786, %dma_wait3A_802, %dma_wait3A_803] : memref<8x50x128xf32, #tpu.memory_space<vmem>> -> memref<1x50x128xf32, #tpu.memory_space<vmem>>
      %dma_wait3A_805 = tpu.memref_squeeze %dma_wait3A_804 : memref<1x50x128xf32, #tpu.memory_space<vmem>> -> memref<50x128xf32, #tpu.memory_space<vmem>>
      tpu.wait_dma2 semaphore(%dma_wait3A_797 : memref<!tpu.dma_semaphore, #tpu.memory_space<semaphore_mem>>) src(%dma_wait3A_805 : memref<50x128xf32, #tpu.memory_space<vmem>>) dst(%dma_wait3A_801 : memref<50x128xf32, #tpu.memory_space<hbm>>)
      %add3A_806 = arith.constant 8 : i32
      %add3A_807 = arith.addi %add3A_749, %add3A_806 : i32
      %dma_start3A_808 = arith.constant 2 : i32
      %dma_start3A_809 = arith.constant 2 : i32
      %dma_start3A_810 = arith.constant 0 : i32
      %dma_start3A_811 = arith.constant 0 : i32
      %dma_start3A_812 = tpu.memref_slice %arg6[%dma_start3A_808, %dma_start3A_810, %dma_start3A_811] : memref<8x50x128xf32, #tpu.memory_space<vmem>> -> memref<1x50x128xf32, #tpu.memory_space<vmem>>
      %dma_start3A_813 = tpu.memref_squeeze %dma_start3A_812 : memref<1x50x128xf32, #tpu.memory_space<vmem>> -> memref<50x128xf32, #tpu.memory_space<vmem>>
      %dma_start3A_814 = arith.constant 0 : i32
      %dma_start3A_815 = tpu.memref_slice %arg5[%add3A_807, %dma_start3A_814] : memref<512x50xi32, #tpu.memory_space<vmem>> -> memref<1x50xi32, #tpu.memory_space<vmem>>
      %dma_start3A_816 = tpu.memref_squeeze %dma_start3A_815 : memref<1x50xi32, #tpu.memory_space<vmem>> -> memref<50xi32, #tpu.memory_space<vmem>>
      %dma_start3A_817 = arith.constant 0 : i32
      %dma_start3A_818 = arith.constant 0 : i32
      %dma_start3A_819 = tpu.memref_slice %arg3[%dma_start3A_817, %dma_start3A_818] : memref<1000000x128xf32, #tpu.memory_space<hbm>> -> memref<1000000x128xf32, #tpu.memory_space<hbm>>
      %dma_start3A_820 = tpu.memref_slice %arg7[%dma_start3A_809] : memref<8x!tpu.dma_semaphore, #tpu.memory_space<semaphore_mem>> -> memref<1x!tpu.dma_semaphore, #tpu.memory_space<semaphore_mem>>
      %dma_start3A_821 = tpu.memref_squeeze %dma_start3A_820 : memref<1x!tpu.dma_semaphore, #tpu.memory_space<semaphore_mem>> -> memref<!tpu.dma_semaphore, #tpu.memory_space<semaphore_mem>>
      tpu.enqueue_indirect_dma source(%dma_start3A_819 : memref<1000000x128xf32, #tpu.memory_space<hbm>>) target(%dma_start3A_813 : memref<50x128xf32, #tpu.memory_space<vmem>>) offsets(%dma_start3A_816 : memref<50xi32, #tpu.memory_space<vmem>>) semaphore(%dma_start3A_821 : memref<!tpu.dma_semaphore, #tpu.memory_space<semaphore_mem>>)
      %add3A_822 = arith.constant 3 : i32
      %add3A_823 = arith.addi %mul3A_599, %add3A_822 : i32
      %dma_wait3A_824 = arith.constant 3 : i32
      %dma_wait3A_825 = arith.constant 3 : i32
      %dma_wait3A_826 = arith.constant 0 : i32
      %dma_wait3A_827 = arith.constant 0 : i32
      %dma_wait3A_828 = tpu.memref_slice %arg6[%dma_wait3A_824, %dma_wait3A_826, %dma_wait3A_827] : memref<8x50x128xf32, #tpu.memory_space<vmem>> -> memref<1x50x128xf32, #tpu.memory_space<vmem>>
      %dma_wait3A_829 = tpu.memref_squeeze %dma_wait3A_828 : memref<1x50x128xf32, #tpu.memory_space<vmem>> -> memref<50x128xf32, #tpu.memory_space<vmem>>
      %dma_wait3A_830 = arith.constant 0 : i32
      %dma_wait3A_831 = tpu.memref_slice %arg5[%add3A_823, %dma_wait3A_830] : memref<512x50xi32, #tpu.memory_space<vmem>> -> memref<1x50xi32, #tpu.memory_space<vmem>>
      %dma_wait3A_832 = tpu.memref_squeeze %dma_wait3A_831 : memref<1x50xi32, #tpu.memory_space<vmem>> -> memref<50xi32, #tpu.memory_space<vmem>>
      %dma_wait3A_833 = arith.constant 0 : i32
      %dma_wait3A_834 = arith.constant 0 : i32
      %dma_wait3A_835 = tpu.memref_slice %arg3[%dma_wait3A_833, %dma_wait3A_834] : memref<1000000x128xf32, #tpu.memory_space<hbm>> -> memref<1000000x128xf32, #tpu.memory_space<hbm>>
      %dma_wait3A_836 = tpu.memref_slice %arg7[%dma_wait3A_825] : memref<8x!tpu.dma_semaphore, #tpu.memory_space<semaphore_mem>> -> memref<1x!tpu.dma_semaphore, #tpu.memory_space<semaphore_mem>>
      %dma_wait3A_837 = tpu.memref_squeeze %dma_wait3A_836 : memref<1x!tpu.dma_semaphore, #tpu.memory_space<semaphore_mem>> -> memref<!tpu.dma_semaphore, #tpu.memory_space<semaphore_mem>>
      tpu.wait_indirect_dma semaphore(%dma_wait3A_837 : memref<!tpu.dma_semaphore, #tpu.memory_space<semaphore_mem>>) src(%dma_wait3A_835 : memref<1000000x128xf32, #tpu.memory_space<hbm>>) dst(%dma_wait3A_829 : memref<50x128xf32, #tpu.memory_space<vmem>>)
      %add3A_838 = arith.addi %mul3A_2, %add3A_823 : i32
      %dma_start3A_839 = arith.constant 3 : i32
      %dma_start3A_840 = arith.constant 3 : i32
      %dma_start3A_841 = arith.constant 0 : i32
      %dma_start3A_842 = arith.constant 0 : i32
      %dma_start3A_843 = tpu.memref_slice %arg6[%dma_start3A_839, %dma_start3A_841, %dma_start3A_842] : memref<8x50x128xf32, #tpu.memory_space<vmem>> -> memref<1x50x128xf32, #tpu.memory_space<vmem>>
      %dma_start3A_844 = tpu.memref_squeeze %dma_start3A_843 : memref<1x50x128xf32, #tpu.memory_space<vmem>> -> memref<50x128xf32, #tpu.memory_space<vmem>>
      %dma_start3A_845 = arith.constant 0 : i32
      %dma_start3A_846 = arith.constant 0 : i32
      %dma_start3A_847 = tpu.memref_slice %arg4[%add3A_838, %dma_start3A_845, %dma_start3A_846] : memref<16384x50x128xf32, #tpu.memory_space<hbm>> -> memref<1x50x128xf32, #tpu.memory_space<hbm>>
      %dma_start3A_848 = tpu.memref_squeeze %dma_start3A_847 : memref<1x50x128xf32, #tpu.memory_space<hbm>> -> memref<50x128xf32, #tpu.memory_space<hbm>>
      %dma_start3A_849 = tpu.memref_slice %arg8[%dma_start3A_840] : memref<8x!tpu.dma_semaphore, #tpu.memory_space<semaphore_mem>> -> memref<1x!tpu.dma_semaphore, #tpu.memory_space<semaphore_mem>>
      %dma_start3A_850 = tpu.memref_squeeze %dma_start3A_849 : memref<1x!tpu.dma_semaphore, #tpu.memory_space<semaphore_mem>> -> memref<!tpu.dma_semaphore, #tpu.memory_space<semaphore_mem>>
      %dma_start3A_851 = arith.constant 0 : i32
      %dma_start3A_852 = arith.constant 0 : i32
      %dma_start3A_853 = tpu.memref_slice %arg4[%add3A_838, %dma_start3A_851, %dma_start3A_852] : memref<16384x50x128xf32, #tpu.memory_space<hbm>> -> memref<1x50x128xf32, #tpu.memory_space<hbm>>
      %dma_start3A_854 = tpu.memref_squeeze %dma_start3A_853 : memref<1x50x128xf32, #tpu.memory_space<hbm>> -> memref<50x128xf32, #tpu.memory_space<hbm>>
      %dma_start3A_855 = arith.constant 0 : i32
      %dma_start3A_856 = arith.constant 0 : i32
      %dma_start3A_857 = tpu.memref_slice %arg6[%dma_start3A_839, %dma_start3A_855, %dma_start3A_856] : memref<8x50x128xf32, #tpu.memory_space<vmem>> -> memref<1x50x128xf32, #tpu.memory_space<vmem>>
      %dma_start3A_858 = tpu.memref_squeeze %dma_start3A_857 : memref<1x50x128xf32, #tpu.memory_space<vmem>> -> memref<50x128xf32, #tpu.memory_space<vmem>>
      tpu.enqueue_dma source(%dma_start3A_858 : memref<50x128xf32, #tpu.memory_space<vmem>>) target(%dma_start3A_854 : memref<50x128xf32, #tpu.memory_space<hbm>>) target_semaphore(%dma_start3A_850 : memref<!tpu.dma_semaphore, #tpu.memory_space<semaphore_mem>>)
      %add3A_859 = arith.addi %mul3A_2, %add3A_823 : i32
      %dma_wait3A_860 = arith.constant 3 : i32
      %dma_wait3A_861 = arith.constant 3 : i32
      %dma_wait3A_862 = arith.constant 0 : i32
      %dma_wait3A_863 = arith.constant 0 : i32
      %dma_wait3A_864 = tpu.memref_slice %arg6[%dma_wait3A_860, %dma_wait3A_862, %dma_wait3A_863] : memref<8x50x128xf32, #tpu.memory_space<vmem>> -> memref<1x50x128xf32, #tpu.memory_space<vmem>>
      %dma_wait3A_865 = tpu.memref_squeeze %dma_wait3A_864 : memref<1x50x128xf32, #tpu.memory_space<vmem>> -> memref<50x128xf32, #tpu.memory_space<vmem>>
      %dma_wait3A_866 = arith.constant 0 : i32
      %dma_wait3A_867 = arith.constant 0 : i32
      %dma_wait3A_868 = tpu.memref_slice %arg4[%add3A_859, %dma_wait3A_866, %dma_wait3A_867] : memref<16384x50x128xf32, #tpu.memory_space<hbm>> -> memref<1x50x128xf32, #tpu.memory_space<hbm>>
      %dma_wait3A_869 = tpu.memref_squeeze %dma_wait3A_868 : memref<1x50x128xf32, #tpu.memory_space<hbm>> -> memref<50x128xf32, #tpu.memory_space<hbm>>
      %dma_wait3A_870 = tpu.memref_slice %arg8[%dma_wait3A_861] : memref<8x!tpu.dma_semaphore, #tpu.memory_space<semaphore_mem>> -> memref<1x!tpu.dma_semaphore, #tpu.memory_space<semaphore_mem>>
      %dma_wait3A_871 = tpu.memref_squeeze %dma_wait3A_870 : memref<1x!tpu.dma_semaphore, #tpu.memory_space<semaphore_mem>> -> memref<!tpu.dma_semaphore, #tpu.memory_space<semaphore_mem>>
      %dma_wait3A_872 = arith.constant 0 : i32
      %dma_wait3A_873 = arith.constant 0 : i32
      %dma_wait3A_874 = tpu.memref_slice %arg4[%add3A_859, %dma_wait3A_872, %dma_wait3A_873] : memref<16384x50x128xf32, #tpu.memory_space<hbm>> -> memref<1x50x128xf32, #tpu.memory_space<hbm>>
      %dma_wait3A_875 = tpu.memref_squeeze %dma_wait3A_874 : memref<1x50x128xf32, #tpu.memory_space<hbm>> -> memref<50x128xf32, #tpu.memory_space<hbm>>
      %dma_wait3A_876 = arith.constant 0 : i32
      %dma_wait3A_877 = arith.constant 0 : i32
      %dma_wait3A_878 = tpu.memref_slice %arg6[%dma_wait3A_860, %dma_wait3A_876, %dma_wait3A_877] : memref<8x50x128xf32, #tpu.memory_space<vmem>> -> memref<1x50x128xf32, #tpu.memory_space<vmem>>
      %dma_wait3A_879 = tpu.memref_squeeze %dma_wait3A_878 : memref<1x50x128xf32, #tpu.memory_space<vmem>> -> memref<50x128xf32, #tpu.memory_space<vmem>>
      tpu.wait_dma2 semaphore(%dma_wait3A_871 : memref<!tpu.dma_semaphore, #tpu.memory_space<semaphore_mem>>) src(%dma_wait3A_879 : memref<50x128xf32, #tpu.memory_space<vmem>>) dst(%dma_wait3A_875 : memref<50x128xf32, #tpu.memory_space<hbm>>)
      %add3A_880 = arith.constant 8 : i32
      %add3A_881 = arith.addi %add3A_823, %add3A_880 : i32
      %dma_start3A_882 = arith.constant 3 : i32
      %dma_start3A_883 = arith.constant 3 : i32
      %dma_start3A_884 = arith.constant 0 : i32
      %dma_start3A_885 = arith.constant 0 : i32
      %dma_start3A_886 = tpu.memref_slice %arg6[%dma_start3A_882, %dma_start3A_884, %dma_start3A_885] : memref<8x50x128xf32, #tpu.memory_space<vmem>> -> memref<1x50x128xf32, #tpu.memory_space<vmem>>
      %dma_start3A_887 = tpu.memref_squeeze %dma_start3A_886 : memref<1x50x128xf32, #tpu.memory_space<vmem>> -> memref<50x128xf32, #tpu.memory_space<vmem>>
      %dma_start3A_888 = arith.constant 0 : i32
      %dma_start3A_889 = tpu.memref_slice %arg5[%add3A_881, %dma_start3A_888] : memref<512x50xi32, #tpu.memory_space<vmem>> -> memref<1x50xi32, #tpu.memory_space<vmem>>
      %dma_start3A_890 = tpu.memref_squeeze %dma_start3A_889 : memref<1x50xi32, #tpu.memory_space<vmem>> -> memref<50xi32, #tpu.memory_space<vmem>>
      %dma_start3A_891 = arith.constant 0 : i32
      %dma_start3A_892 = arith.constant 0 : i32
      %dma_start3A_893 = tpu.memref_slice %arg3[%dma_start3A_891, %dma_start3A_892] : memref<1000000x128xf32, #tpu.memory_space<hbm>> -> memref<1000000x128xf32, #tpu.memory_space<hbm>>
      %dma_start3A_894 = tpu.memref_slice %arg7[%dma_start3A_883] : memref<8x!tpu.dma_semaphore, #tpu.memory_space<semaphore_mem>> -> memref<1x!tpu.dma_semaphore, #tpu.memory_space<semaphore_mem>>
      %dma_start3A_895 = tpu.memref_squeeze %dma_start3A_894 : memref<1x!tpu.dma_semaphore, #tpu.memory_space<semaphore_mem>> -> memref<!tpu.dma_semaphore, #tpu.memory_space<semaphore_mem>>
      tpu.enqueue_indirect_dma source(%dma_start3A_893 : memref<1000000x128xf32, #tpu.memory_space<hbm>>) target(%dma_start3A_887 : memref<50x128xf32, #tpu.memory_space<vmem>>) offsets(%dma_start3A_890 : memref<50xi32, #tpu.memory_space<vmem>>) semaphore(%dma_start3A_895 : memref<!tpu.dma_semaphore, #tpu.memory_space<semaphore_mem>>)
      %add3A_896 = arith.constant 4 : i32
      %add3A_897 = arith.addi %mul3A_599, %add3A_896 : i32
      %dma_wait3A_898 = arith.constant 4 : i32
      %dma_wait3A_899 = arith.constant 4 : i32
      %dma_wait3A_900 = arith.constant 0 : i32
      %dma_wait3A_901 = arith.constant 0 : i32
      %dma_wait3A_902 = tpu.memref_slice %arg6[%dma_wait3A_898, %dma_wait3A_900, %dma_wait3A_901] : memref<8x50x128xf32, #tpu.memory_space<vmem>> -> memref<1x50x128xf32, #tpu.memory_space<vmem>>
      %dma_wait3A_903 = tpu.memref_squeeze %dma_wait3A_902 : memref<1x50x128xf32, #tpu.memory_space<vmem>> -> memref<50x128xf32, #tpu.memory_space<vmem>>
      %dma_wait3A_904 = arith.constant 0 : i32
      %dma_wait3A_905 = tpu.memref_slice %arg5[%add3A_897, %dma_wait3A_904] : memref<512x50xi32, #tpu.memory_space<vmem>> -> memref<1x50xi32, #tpu.memory_space<vmem>>
      %dma_wait3A_906 = tpu.memref_squeeze %dma_wait3A_905 : memref<1x50xi32, #tpu.memory_space<vmem>> -> memref<50xi32, #tpu.memory_space<vmem>>
      %dma_wait3A_907 = arith.constant 0 : i32
      %dma_wait3A_908 = arith.constant 0 : i32
      %dma_wait3A_909 = tpu.memref_slice %arg3[%dma_wait3A_907, %dma_wait3A_908] : memref<1000000x128xf32, #tpu.memory_space<hbm>> -> memref<1000000x128xf32, #tpu.memory_space<hbm>>
      %dma_wait3A_910 = tpu.memref_slice %arg7[%dma_wait3A_899] : memref<8x!tpu.dma_semaphore, #tpu.memory_space<semaphore_mem>> -> memref<1x!tpu.dma_semaphore, #tpu.memory_space<semaphore_mem>>
      %dma_wait3A_911 = tpu.memref_squeeze %dma_wait3A_910 : memref<1x!tpu.dma_semaphore, #tpu.memory_space<semaphore_mem>> -> memref<!tpu.dma_semaphore, #tpu.memory_space<semaphore_mem>>
      tpu.wait_indirect_dma semaphore(%dma_wait3A_911 : memref<!tpu.dma_semaphore, #tpu.memory_space<semaphore_mem>>) src(%dma_wait3A_909 : memref<1000000x128xf32, #tpu.memory_space<hbm>>) dst(%dma_wait3A_903 : memref<50x128xf32, #tpu.memory_space<vmem>>)
      %add3A_912 = arith.addi %mul3A_2, %add3A_897 : i32
      %dma_start3A_913 = arith.constant 4 : i32
      %dma_start3A_914 = arith.constant 4 : i32
      %dma_start3A_915 = arith.constant 0 : i32
      %dma_start3A_916 = arith.constant 0 : i32
      %dma_start3A_917 = tpu.memref_slice %arg6[%dma_start3A_913, %dma_start3A_915, %dma_start3A_916] : memref<8x50x128xf32, #tpu.memory_space<vmem>> -> memref<1x50x128xf32, #tpu.memory_space<vmem>>
      %dma_start3A_918 = tpu.memref_squeeze %dma_start3A_917 : memref<1x50x128xf32, #tpu.memory_space<vmem>> -> memref<50x128xf32, #tpu.memory_space<vmem>>
      %dma_start3A_919 = arith.constant 0 : i32
      %dma_start3A_920 = arith.constant 0 : i32
      %dma_start3A_921 = tpu.memref_slice %arg4[%add3A_912, %dma_start3A_919, %dma_start3A_920] : memref<16384x50x128xf32, #tpu.memory_space<hbm>> -> memref<1x50x128xf32, #tpu.memory_space<hbm>>
      %dma_start3A_922 = tpu.memref_squeeze %dma_start3A_921 : memref<1x50x128xf32, #tpu.memory_space<hbm>> -> memref<50x128xf32, #tpu.memory_space<hbm>>
      %dma_start3A_923 = tpu.memref_slice %arg8[%dma_start3A_914] : memref<8x!tpu.dma_semaphore, #tpu.memory_space<semaphore_mem>> -> memref<1x!tpu.dma_semaphore, #tpu.memory_space<semaphore_mem>>
      %dma_start3A_924 = tpu.memref_squeeze %dma_start3A_923 : memref<1x!tpu.dma_semaphore, #tpu.memory_space<semaphore_mem>> -> memref<!tpu.dma_semaphore, #tpu.memory_space<semaphore_mem>>
      %dma_start3A_925 = arith.constant 0 : i32
      %dma_start3A_926 = arith.constant 0 : i32
      %dma_start3A_927 = tpu.memref_slice %arg4[%add3A_912, %dma_start3A_925, %dma_start3A_926] : memref<16384x50x128xf32, #tpu.memory_space<hbm>> -> memref<1x50x128xf32, #tpu.memory_space<hbm>>
      %dma_start3A_928 = tpu.memref_squeeze %dma_start3A_927 : memref<1x50x128xf32, #tpu.memory_space<hbm>> -> memref<50x128xf32, #tpu.memory_space<hbm>>
      %dma_start3A_929 = arith.constant 0 : i32
      %dma_start3A_930 = arith.constant 0 : i32
      %dma_start3A_931 = tpu.memref_slice %arg6[%dma_start3A_913, %dma_start3A_929, %dma_start3A_930] : memref<8x50x128xf32, #tpu.memory_space<vmem>> -> memref<1x50x128xf32, #tpu.memory_space<vmem>>
      %dma_start3A_932 = tpu.memref_squeeze %dma_start3A_931 : memref<1x50x128xf32, #tpu.memory_space<vmem>> -> memref<50x128xf32, #tpu.memory_space<vmem>>
      tpu.enqueue_dma source(%dma_start3A_932 : memref<50x128xf32, #tpu.memory_space<vmem>>) target(%dma_start3A_928 : memref<50x128xf32, #tpu.memory_space<hbm>>) target_semaphore(%dma_start3A_924 : memref<!tpu.dma_semaphore, #tpu.memory_space<semaphore_mem>>)
      %add3A_933 = arith.addi %mul3A_2, %add3A_897 : i32
      %dma_wait3A_934 = arith.constant 4 : i32
      %dma_wait3A_935 = arith.constant 4 : i32
      %dma_wait3A_936 = arith.constant 0 : i32
      %dma_wait3A_937 = arith.constant 0 : i32
      %dma_wait3A_938 = tpu.memref_slice %arg6[%dma_wait3A_934, %dma_wait3A_936, %dma_wait3A_937] : memref<8x50x128xf32, #tpu.memory_space<vmem>> -> memref<1x50x128xf32, #tpu.memory_space<vmem>>
      %dma_wait3A_939 = tpu.memref_squeeze %dma_wait3A_938 : memref<1x50x128xf32, #tpu.memory_space<vmem>> -> memref<50x128xf32, #tpu.memory_space<vmem>>
      %dma_wait3A_940 = arith.constant 0 : i32
      %dma_wait3A_941 = arith.constant 0 : i32
      %dma_wait3A_942 = tpu.memref_slice %arg4[%add3A_933, %dma_wait3A_940, %dma_wait3A_941] : memref<16384x50x128xf32, #tpu.memory_space<hbm>> -> memref<1x50x128xf32, #tpu.memory_space<hbm>>
      %dma_wait3A_943 = tpu.memref_squeeze %dma_wait3A_942 : memref<1x50x128xf32, #tpu.memory_space<hbm>> -> memref<50x128xf32, #tpu.memory_space<hbm>>
      %dma_wait3A_944 = tpu.memref_slice %arg8[%dma_wait3A_935] : memref<8x!tpu.dma_semaphore, #tpu.memory_space<semaphore_mem>> -> memref<1x!tpu.dma_semaphore, #tpu.memory_space<semaphore_mem>>
      %dma_wait3A_945 = tpu.memref_squeeze %dma_wait3A_944 : memref<1x!tpu.dma_semaphore, #tpu.memory_space<semaphore_mem>> -> memref<!tpu.dma_semaphore, #tpu.memory_space<semaphore_mem>>
      %dma_wait3A_946 = arith.constant 0 : i32
      %dma_wait3A_947 = arith.constant 0 : i32
      %dma_wait3A_948 = tpu.memref_slice %arg4[%add3A_933, %dma_wait3A_946, %dma_wait3A_947] : memref<16384x50x128xf32, #tpu.memory_space<hbm>> -> memref<1x50x128xf32, #tpu.memory_space<hbm>>
      %dma_wait3A_949 = tpu.memref_squeeze %dma_wait3A_948 : memref<1x50x128xf32, #tpu.memory_space<hbm>> -> memref<50x128xf32, #tpu.memory_space<hbm>>
      %dma_wait3A_950 = arith.constant 0 : i32
      %dma_wait3A_951 = arith.constant 0 : i32
      %dma_wait3A_952 = tpu.memref_slice %arg6[%dma_wait3A_934, %dma_wait3A_950, %dma_wait3A_951] : memref<8x50x128xf32, #tpu.memory_space<vmem>> -> memref<1x50x128xf32, #tpu.memory_space<vmem>>
      %dma_wait3A_953 = tpu.memref_squeeze %dma_wait3A_952 : memref<1x50x128xf32, #tpu.memory_space<vmem>> -> memref<50x128xf32, #tpu.memory_space<vmem>>
      tpu.wait_dma2 semaphore(%dma_wait3A_945 : memref<!tpu.dma_semaphore, #tpu.memory_space<semaphore_mem>>) src(%dma_wait3A_953 : memref<50x128xf32, #tpu.memory_space<vmem>>) dst(%dma_wait3A_949 : memref<50x128xf32, #tpu.memory_space<hbm>>)
      %add3A_954 = arith.constant 8 : i32
      %add3A_955 = arith.addi %add3A_897, %add3A_954 : i32
      %dma_start3A_956 = arith.constant 4 : i32
      %dma_start3A_957 = arith.constant 4 : i32
      %dma_start3A_958 = arith.constant 0 : i32
      %dma_start3A_959 = arith.constant 0 : i32
      %dma_start3A_960 = tpu.memref_slice %arg6[%dma_start3A_956, %dma_start3A_958, %dma_start3A_959] : memref<8x50x128xf32, #tpu.memory_space<vmem>> -> memref<1x50x128xf32, #tpu.memory_space<vmem>>
      %dma_start3A_961 = tpu.memref_squeeze %dma_start3A_960 : memref<1x50x128xf32, #tpu.memory_space<vmem>> -> memref<50x128xf32, #tpu.memory_space<vmem>>
      %dma_start3A_962 = arith.constant 0 : i32
      %dma_start3A_963 = tpu.memref_slice %arg5[%add3A_955, %dma_start3A_962] : memref<512x50xi32, #tpu.memory_space<vmem>> -> memref<1x50xi32, #tpu.memory_space<vmem>>
      %dma_start3A_964 = tpu.memref_squeeze %dma_start3A_963 : memref<1x50xi32, #tpu.memory_space<vmem>> -> memref<50xi32, #tpu.memory_space<vmem>>
      %dma_start3A_965 = arith.constant 0 : i32
      %dma_start3A_966 = arith.constant 0 : i32
      %dma_start3A_967 = tpu.memref_slice %arg3[%dma_start3A_965, %dma_start3A_966] : memref<1000000x128xf32, #tpu.memory_space<hbm>> -> memref<1000000x128xf32, #tpu.memory_space<hbm>>
      %dma_start3A_968 = tpu.memref_slice %arg7[%dma_start3A_957] : memref<8x!tpu.dma_semaphore, #tpu.memory_space<semaphore_mem>> -> memref<1x!tpu.dma_semaphore, #tpu.memory_space<semaphore_mem>>
      %dma_start3A_969 = tpu.memref_squeeze %dma_start3A_968 : memref<1x!tpu.dma_semaphore, #tpu.memory_space<semaphore_mem>> -> memref<!tpu.dma_semaphore, #tpu.memory_space<semaphore_mem>>
      tpu.enqueue_indirect_dma source(%dma_start3A_967 : memref<1000000x128xf32, #tpu.memory_space<hbm>>) target(%dma_start3A_961 : memref<50x128xf32, #tpu.memory_space<vmem>>) offsets(%dma_start3A_964 : memref<50xi32, #tpu.memory_space<vmem>>) semaphore(%dma_start3A_969 : memref<!tpu.dma_semaphore, #tpu.memory_space<semaphore_mem>>)
      %add3A_970 = arith.constant 5 : i32
      %add3A_971 = arith.addi %mul3A_599, %add3A_970 : i32
      %dma_wait3A_972 = arith.constant 5 : i32
      %dma_wait3A_973 = arith.constant 5 : i32
      %dma_wait3A_974 = arith.constant 0 : i32
      %dma_wait3A_975 = arith.constant 0 : i32
      %dma_wait3A_976 = tpu.memref_slice %arg6[%dma_wait3A_972, %dma_wait3A_974, %dma_wait3A_975] : memref<8x50x128xf32, #tpu.memory_space<vmem>> -> memref<1x50x128xf32, #tpu.memory_space<vmem>>
      %dma_wait3A_977 = tpu.memref_squeeze %dma_wait3A_976 : memref<1x50x128xf32, #tpu.memory_space<vmem>> -> memref<50x128xf32, #tpu.memory_space<vmem>>
      %dma_wait3A_978 = arith.constant 0 : i32
      %dma_wait3A_979 = tpu.memref_slice %arg5[%add3A_971, %dma_wait3A_978] : memref<512x50xi32, #tpu.memory_space<vmem>> -> memref<1x50xi32, #tpu.memory_space<vmem>>
      %dma_wait3A_980 = tpu.memref_squeeze %dma_wait3A_979 : memref<1x50xi32, #tpu.memory_space<vmem>> -> memref<50xi32, #tpu.memory_space<vmem>>
      %dma_wait3A_981 = arith.constant 0 : i32
      %dma_wait3A_982 = arith.constant 0 : i32
      %dma_wait3A_983 = tpu.memref_slice %arg3[%dma_wait3A_981, %dma_wait3A_982] : memref<1000000x128xf32, #tpu.memory_space<hbm>> -> memref<1000000x128xf32, #tpu.memory_space<hbm>>
      %dma_wait3A_984 = tpu.memref_slice %arg7[%dma_wait3A_973] : memref<8x!tpu.dma_semaphore, #tpu.memory_space<semaphore_mem>> -> memref<1x!tpu.dma_semaphore, #tpu.memory_space<semaphore_mem>>
      %dma_wait3A_985 = tpu.memref_squeeze %dma_wait3A_984 : memref<1x!tpu.dma_semaphore, #tpu.memory_space<semaphore_mem>> -> memref<!tpu.dma_semaphore, #tpu.memory_space<semaphore_mem>>
      tpu.wait_indirect_dma semaphore(%dma_wait3A_985 : memref<!tpu.dma_semaphore, #tpu.memory_space<semaphore_mem>>) src(%dma_wait3A_983 : memref<1000000x128xf32, #tpu.memory_space<hbm>>) dst(%dma_wait3A_977 : memref<50x128xf32, #tpu.memory_space<vmem>>)
      %add3A_986 = arith.addi %mul3A_2, %add3A_971 : i32
      %dma_start3A_987 = arith.constant 5 : i32
      %dma_start3A_988 = arith.constant 5 : i32
      %dma_start3A_989 = arith.constant 0 : i32
      %dma_start3A_990 = arith.constant 0 : i32
      %dma_start3A_991 = tpu.memref_slice %arg6[%dma_start3A_987, %dma_start3A_989, %dma_start3A_990] : memref<8x50x128xf32, #tpu.memory_space<vmem>> -> memref<1x50x128xf32, #tpu.memory_space<vmem>>
      %dma_start3A_992 = tpu.memref_squeeze %dma_start3A_991 : memref<1x50x128xf32, #tpu.memory_space<vmem>> -> memref<50x128xf32, #tpu.memory_space<vmem>>
      %dma_start3A_993 = arith.constant 0 : i32
      %dma_start3A_994 = arith.constant 0 : i32
      %dma_start3A_995 = tpu.memref_slice %arg4[%add3A_986, %dma_start3A_993, %dma_start3A_994] : memref<16384x50x128xf32, #tpu.memory_space<hbm>> -> memref<1x50x128xf32, #tpu.memory_space<hbm>>
      %dma_start3A_996 = tpu.memref_squeeze %dma_start3A_995 : memref<1x50x128xf32, #tpu.memory_space<hbm>> -> memref<50x128xf32, #tpu.memory_space<hbm>>
      %dma_start3A_997 = tpu.memref_slice %arg8[%dma_start3A_988] : memref<8x!tpu.dma_semaphore, #tpu.memory_space<semaphore_mem>> -> memref<1x!tpu.dma_semaphore, #tpu.memory_space<semaphore_mem>>
      %dma_start3A_998 = tpu.memref_squeeze %dma_start3A_997 : memref<1x!tpu.dma_semaphore, #tpu.memory_space<semaphore_mem>> -> memref<!tpu.dma_semaphore, #tpu.memory_space<semaphore_mem>>
      %dma_start3A_999 = arith.constant 0 : i32
      %dma_start3A_1000 = arith.constant 0 : i32
      %dma_start3A_1001 = tpu.memref_slice %arg4[%add3A_986, %dma_start3A_999, %dma_start3A_1000] : memref<16384x50x128xf32, #tpu.memory_space<hbm>> -> memref<1x50x128xf32, #tpu.memory_space<hbm>>
      %dma_start3A_1002 = tpu.memref_squeeze %dma_start3A_1001 : memref<1x50x128xf32, #tpu.memory_space<hbm>> -> memref<50x128xf32, #tpu.memory_space<hbm>>
      %dma_start3A_1003 = arith.constant 0 : i32
      %dma_start3A_1004 = arith.constant 0 : i32
      %dma_start3A_1005 = tpu.memref_slice %arg6[%dma_start3A_987, %dma_start3A_1003, %dma_start3A_1004] : memref<8x50x128xf32, #tpu.memory_space<vmem>> -> memref<1x50x128xf32, #tpu.memory_space<vmem>>
      %dma_start3A_1006 = tpu.memref_squeeze %dma_start3A_1005 : memref<1x50x128xf32, #tpu.memory_space<vmem>> -> memref<50x128xf32, #tpu.memory_space<vmem>>
      tpu.enqueue_dma source(%dma_start3A_1006 : memref<50x128xf32, #tpu.memory_space<vmem>>) target(%dma_start3A_1002 : memref<50x128xf32, #tpu.memory_space<hbm>>) target_semaphore(%dma_start3A_998 : memref<!tpu.dma_semaphore, #tpu.memory_space<semaphore_mem>>)
      %add3A_1007 = arith.addi %mul3A_2, %add3A_971 : i32
      %dma_wait3A_1008 = arith.constant 5 : i32
      %dma_wait3A_1009 = arith.constant 5 : i32
      %dma_wait3A_1010 = arith.constant 0 : i32
      %dma_wait3A_1011 = arith.constant 0 : i32
      %dma_wait3A_1012 = tpu.memref_slice %arg6[%dma_wait3A_1008, %dma_wait3A_1010, %dma_wait3A_1011] : memref<8x50x128xf32, #tpu.memory_space<vmem>> -> memref<1x50x128xf32, #tpu.memory_space<vmem>>
      %dma_wait3A_1013 = tpu.memref_squeeze %dma_wait3A_1012 : memref<1x50x128xf32, #tpu.memory_space<vmem>> -> memref<50x128xf32, #tpu.memory_space<vmem>>
      %dma_wait3A_1014 = arith.constant 0 : i32
      %dma_wait3A_1015 = arith.constant 0 : i32
      %dma_wait3A_1016 = tpu.memref_slice %arg4[%add3A_1007, %dma_wait3A_1014, %dma_wait3A_1015] : memref<16384x50x128xf32, #tpu.memory_space<hbm>> -> memref<1x50x128xf32, #tpu.memory_space<hbm>>
      %dma_wait3A_1017 = tpu.memref_squeeze %dma_wait3A_1016 : memref<1x50x128xf32, #tpu.memory_space<hbm>> -> memref<50x128xf32, #tpu.memory_space<hbm>>
      %dma_wait3A_1018 = tpu.memref_slice %arg8[%dma_wait3A_1009] : memref<8x!tpu.dma_semaphore, #tpu.memory_space<semaphore_mem>> -> memref<1x!tpu.dma_semaphore, #tpu.memory_space<semaphore_mem>>
      %dma_wait3A_1019 = tpu.memref_squeeze %dma_wait3A_1018 : memref<1x!tpu.dma_semaphore, #tpu.memory_space<semaphore_mem>> -> memref<!tpu.dma_semaphore, #tpu.memory_space<semaphore_mem>>
      %dma_wait3A_1020 = arith.constant 0 : i32
      %dma_wait3A_1021 = arith.constant 0 : i32
      %dma_wait3A_1022 = tpu.memref_slice %arg4[%add3A_1007, %dma_wait3A_1020, %dma_wait3A_1021] : memref<16384x50x128xf32, #tpu.memory_space<hbm>> -> memref<1x50x128xf32, #tpu.memory_space<hbm>>
      %dma_wait3A_1023 = tpu.memref_squeeze %dma_wait3A_1022 : memref<1x50x128xf32, #tpu.memory_space<hbm>> -> memref<50x128xf32, #tpu.memory_space<hbm>>
      %dma_wait3A_1024 = arith.constant 0 : i32
      %dma_wait3A_1025 = arith.constant 0 : i32
      %dma_wait3A_1026 = tpu.memref_slice %arg6[%dma_wait3A_1008, %dma_wait3A_1024, %dma_wait3A_1025] : memref<8x50x128xf32, #tpu.memory_space<vmem>> -> memref<1x50x128xf32, #tpu.memory_space<vmem>>
      %dma_wait3A_1027 = tpu.memref_squeeze %dma_wait3A_1026 : memref<1x50x128xf32, #tpu.memory_space<vmem>> -> memref<50x128xf32, #tpu.memory_space<vmem>>
      tpu.wait_dma2 semaphore(%dma_wait3A_1019 : memref<!tpu.dma_semaphore, #tpu.memory_space<semaphore_mem>>) src(%dma_wait3A_1027 : memref<50x128xf32, #tpu.memory_space<vmem>>) dst(%dma_wait3A_1023 : memref<50x128xf32, #tpu.memory_space<hbm>>)
      %add3A_1028 = arith.constant 8 : i32
      %add3A_1029 = arith.addi %add3A_971, %add3A_1028 : i32
      %dma_start3A_1030 = arith.constant 5 : i32
      %dma_start3A_1031 = arith.constant 5 : i32
      %dma_start3A_1032 = arith.constant 0 : i32
      %dma_start3A_1033 = arith.constant 0 : i32
      %dma_start3A_1034 = tpu.memref_slice %arg6[%dma_start3A_1030, %dma_start3A_1032, %dma_start3A_1033] : memref<8x50x128xf32, #tpu.memory_space<vmem>> -> memref<1x50x128xf32, #tpu.memory_space<vmem>>
      %dma_start3A_1035 = tpu.memref_squeeze %dma_start3A_1034 : memref<1x50x128xf32, #tpu.memory_space<vmem>> -> memref<50x128xf32, #tpu.memory_space<vmem>>
      %dma_start3A_1036 = arith.constant 0 : i32
      %dma_start3A_1037 = tpu.memref_slice %arg5[%add3A_1029, %dma_start3A_1036] : memref<512x50xi32, #tpu.memory_space<vmem>> -> memref<1x50xi32, #tpu.memory_space<vmem>>
      %dma_start3A_1038 = tpu.memref_squeeze %dma_start3A_1037 : memref<1x50xi32, #tpu.memory_space<vmem>> -> memref<50xi32, #tpu.memory_space<vmem>>
      %dma_start3A_1039 = arith.constant 0 : i32
      %dma_start3A_1040 = arith.constant 0 : i32
      %dma_start3A_1041 = tpu.memref_slice %arg3[%dma_start3A_1039, %dma_start3A_1040] : memref<1000000x128xf32, #tpu.memory_space<hbm>> -> memref<1000000x128xf32, #tpu.memory_space<hbm>>
      %dma_start3A_1042 = tpu.memref_slice %arg7[%dma_start3A_1031] : memref<8x!tpu.dma_semaphore, #tpu.memory_space<semaphore_mem>> -> memref<1x!tpu.dma_semaphore, #tpu.memory_space<semaphore_mem>>
      %dma_start3A_1043 = tpu.memref_squeeze %dma_start3A_1042 : memref<1x!tpu.dma_semaphore, #tpu.memory_space<semaphore_mem>> -> memref<!tpu.dma_semaphore, #tpu.memory_space<semaphore_mem>>
      tpu.enqueue_indirect_dma source(%dma_start3A_1041 : memref<1000000x128xf32, #tpu.memory_space<hbm>>) target(%dma_start3A_1035 : memref<50x128xf32, #tpu.memory_space<vmem>>) offsets(%dma_start3A_1038 : memref<50xi32, #tpu.memory_space<vmem>>) semaphore(%dma_start3A_1043 : memref<!tpu.dma_semaphore, #tpu.memory_space<semaphore_mem>>)
      %add3A_1044 = arith.constant 6 : i32
      %add3A_1045 = arith.addi %mul3A_599, %add3A_1044 : i32
      %dma_wait3A_1046 = arith.constant 6 : i32
      %dma_wait3A_1047 = arith.constant 6 : i32
      %dma_wait3A_1048 = arith.constant 0 : i32
      %dma_wait3A_1049 = arith.constant 0 : i32
      %dma_wait3A_1050 = tpu.memref_slice %arg6[%dma_wait3A_1046, %dma_wait3A_1048, %dma_wait3A_1049] : memref<8x50x128xf32, #tpu.memory_space<vmem>> -> memref<1x50x128xf32, #tpu.memory_space<vmem>>
      %dma_wait3A_1051 = tpu.memref_squeeze %dma_wait3A_1050 : memref<1x50x128xf32, #tpu.memory_space<vmem>> -> memref<50x128xf32, #tpu.memory_space<vmem>>
      %dma_wait3A_1052 = arith.constant 0 : i32
      %dma_wait3A_1053 = tpu.memref_slice %arg5[%add3A_1045, %dma_wait3A_1052] : memref<512x50xi32, #tpu.memory_space<vmem>> -> memref<1x50xi32, #tpu.memory_space<vmem>>
      %dma_wait3A_1054 = tpu.memref_squeeze %dma_wait3A_1053 : memref<1x50xi32, #tpu.memory_space<vmem>> -> memref<50xi32, #tpu.memory_space<vmem>>
      %dma_wait3A_1055 = arith.constant 0 : i32
      %dma_wait3A_1056 = arith.constant 0 : i32
      %dma_wait3A_1057 = tpu.memref_slice %arg3[%dma_wait3A_1055, %dma_wait3A_1056] : memref<1000000x128xf32, #tpu.memory_space<hbm>> -> memref<1000000x128xf32, #tpu.memory_space<hbm>>
      %dma_wait3A_1058 = tpu.memref_slice %arg7[%dma_wait3A_1047] : memref<8x!tpu.dma_semaphore, #tpu.memory_space<semaphore_mem>> -> memref<1x!tpu.dma_semaphore, #tpu.memory_space<semaphore_mem>>
      %dma_wait3A_1059 = tpu.memref_squeeze %dma_wait3A_1058 : memref<1x!tpu.dma_semaphore, #tpu.memory_space<semaphore_mem>> -> memref<!tpu.dma_semaphore, #tpu.memory_space<semaphore_mem>>
      tpu.wait_indirect_dma semaphore(%dma_wait3A_1059 : memref<!tpu.dma_semaphore, #tpu.memory_space<semaphore_mem>>) src(%dma_wait3A_1057 : memref<1000000x128xf32, #tpu.memory_space<hbm>>) dst(%dma_wait3A_1051 : memref<50x128xf32, #tpu.memory_space<vmem>>)
      %add3A_1060 = arith.addi %mul3A_2, %add3A_1045 : i32
      %dma_start3A_1061 = arith.constant 6 : i32
      %dma_start3A_1062 = arith.constant 6 : i32
      %dma_start3A_1063 = arith.constant 0 : i32
      %dma_start3A_1064 = arith.constant 0 : i32
      %dma_start3A_1065 = tpu.memref_slice %arg6[%dma_start3A_1061, %dma_start3A_1063, %dma_start3A_1064] : memref<8x50x128xf32, #tpu.memory_space<vmem>> -> memref<1x50x128xf32, #tpu.memory_space<vmem>>
      %dma_start3A_1066 = tpu.memref_squeeze %dma_start3A_1065 : memref<1x50x128xf32, #tpu.memory_space<vmem>> -> memref<50x128xf32, #tpu.memory_space<vmem>>
      %dma_start3A_1067 = arith.constant 0 : i32
      %dma_start3A_1068 = arith.constant 0 : i32
      %dma_start3A_1069 = tpu.memref_slice %arg4[%add3A_1060, %dma_start3A_1067, %dma_start3A_1068] : memref<16384x50x128xf32, #tpu.memory_space<hbm>> -> memref<1x50x128xf32, #tpu.memory_space<hbm>>
      %dma_start3A_1070 = tpu.memref_squeeze %dma_start3A_1069 : memref<1x50x128xf32, #tpu.memory_space<hbm>> -> memref<50x128xf32, #tpu.memory_space<hbm>>
      %dma_start3A_1071 = tpu.memref_slice %arg8[%dma_start3A_1062] : memref<8x!tpu.dma_semaphore, #tpu.memory_space<semaphore_mem>> -> memref<1x!tpu.dma_semaphore, #tpu.memory_space<semaphore_mem>>
      %dma_start3A_1072 = tpu.memref_squeeze %dma_start3A_1071 : memref<1x!tpu.dma_semaphore, #tpu.memory_space<semaphore_mem>> -> memref<!tpu.dma_semaphore, #tpu.memory_space<semaphore_mem>>
      %dma_start3A_1073 = arith.constant 0 : i32
      %dma_start3A_1074 = arith.constant 0 : i32
      %dma_start3A_1075 = tpu.memref_slice %arg4[%add3A_1060, %dma_start3A_1073, %dma_start3A_1074] : memref<16384x50x128xf32, #tpu.memory_space<hbm>> -> memref<1x50x128xf32, #tpu.memory_space<hbm>>
      %dma_start3A_1076 = tpu.memref_squeeze %dma_start3A_1075 : memref<1x50x128xf32, #tpu.memory_space<hbm>> -> memref<50x128xf32, #tpu.memory_space<hbm>>
      %dma_start3A_1077 = arith.constant 0 : i32
      %dma_start3A_1078 = arith.constant 0 : i32
      %dma_start3A_1079 = tpu.memref_slice %arg6[%dma_start3A_1061, %dma_start3A_1077, %dma_start3A_1078] : memref<8x50x128xf32, #tpu.memory_space<vmem>> -> memref<1x50x128xf32, #tpu.memory_space<vmem>>
      %dma_start3A_1080 = tpu.memref_squeeze %dma_start3A_1079 : memref<1x50x128xf32, #tpu.memory_space<vmem>> -> memref<50x128xf32, #tpu.memory_space<vmem>>
      tpu.enqueue_dma source(%dma_start3A_1080 : memref<50x128xf32, #tpu.memory_space<vmem>>) target(%dma_start3A_1076 : memref<50x128xf32, #tpu.memory_space<hbm>>) target_semaphore(%dma_start3A_1072 : memref<!tpu.dma_semaphore, #tpu.memory_space<semaphore_mem>>)
      %add3A_1081 = arith.addi %mul3A_2, %add3A_1045 : i32
      %dma_wait3A_1082 = arith.constant 6 : i32
      %dma_wait3A_1083 = arith.constant 6 : i32
      %dma_wait3A_1084 = arith.constant 0 : i32
      %dma_wait3A_1085 = arith.constant 0 : i32
      %dma_wait3A_1086 = tpu.memref_slice %arg6[%dma_wait3A_1082, %dma_wait3A_1084, %dma_wait3A_1085] : memref<8x50x128xf32, #tpu.memory_space<vmem>> -> memref<1x50x128xf32, #tpu.memory_space<vmem>>
      %dma_wait3A_1087 = tpu.memref_squeeze %dma_wait3A_1086 : memref<1x50x128xf32, #tpu.memory_space<vmem>> -> memref<50x128xf32, #tpu.memory_space<vmem>>
      %dma_wait3A_1088 = arith.constant 0 : i32
      %dma_wait3A_1089 = arith.constant 0 : i32
      %dma_wait3A_1090 = tpu.memref_slice %arg4[%add3A_1081, %dma_wait3A_1088, %dma_wait3A_1089] : memref<16384x50x128xf32, #tpu.memory_space<hbm>> -> memref<1x50x128xf32, #tpu.memory_space<hbm>>
      %dma_wait3A_1091 = tpu.memref_squeeze %dma_wait3A_1090 : memref<1x50x128xf32, #tpu.memory_space<hbm>> -> memref<50x128xf32, #tpu.memory_space<hbm>>
      %dma_wait3A_1092 = tpu.memref_slice %arg8[%dma_wait3A_1083] : memref<8x!tpu.dma_semaphore, #tpu.memory_space<semaphore_mem>> -> memref<1x!tpu.dma_semaphore, #tpu.memory_space<semaphore_mem>>
      %dma_wait3A_1093 = tpu.memref_squeeze %dma_wait3A_1092 : memref<1x!tpu.dma_semaphore, #tpu.memory_space<semaphore_mem>> -> memref<!tpu.dma_semaphore, #tpu.memory_space<semaphore_mem>>
      %dma_wait3A_1094 = arith.constant 0 : i32
      %dma_wait3A_1095 = arith.constant 0 : i32
      %dma_wait3A_1096 = tpu.memref_slice %arg4[%add3A_1081, %dma_wait3A_1094, %dma_wait3A_1095] : memref<16384x50x128xf32, #tpu.memory_space<hbm>> -> memref<1x50x128xf32, #tpu.memory_space<hbm>>
      %dma_wait3A_1097 = tpu.memref_squeeze %dma_wait3A_1096 : memref<1x50x128xf32, #tpu.memory_space<hbm>> -> memref<50x128xf32, #tpu.memory_space<hbm>>
      %dma_wait3A_1098 = arith.constant 0 : i32
      %dma_wait3A_1099 = arith.constant 0 : i32
      %dma_wait3A_1100 = tpu.memref_slice %arg6[%dma_wait3A_1082, %dma_wait3A_1098, %dma_wait3A_1099] : memref<8x50x128xf32, #tpu.memory_space<vmem>> -> memref<1x50x128xf32, #tpu.memory_space<vmem>>
      %dma_wait3A_1101 = tpu.memref_squeeze %dma_wait3A_1100 : memref<1x50x128xf32, #tpu.memory_space<vmem>> -> memref<50x128xf32, #tpu.memory_space<vmem>>
      tpu.wait_dma2 semaphore(%dma_wait3A_1093 : memref<!tpu.dma_semaphore, #tpu.memory_space<semaphore_mem>>) src(%dma_wait3A_1101 : memref<50x128xf32, #tpu.memory_space<vmem>>) dst(%dma_wait3A_1097 : memref<50x128xf32, #tpu.memory_space<hbm>>)
      %add3A_1102 = arith.constant 8 : i32
      %add3A_1103 = arith.addi %add3A_1045, %add3A_1102 : i32
      %dma_start3A_1104 = arith.constant 6 : i32
      %dma_start3A_1105 = arith.constant 6 : i32
      %dma_start3A_1106 = arith.constant 0 : i32
      %dma_start3A_1107 = arith.constant 0 : i32
      %dma_start3A_1108 = tpu.memref_slice %arg6[%dma_start3A_1104, %dma_start3A_1106, %dma_start3A_1107] : memref<8x50x128xf32, #tpu.memory_space<vmem>> -> memref<1x50x128xf32, #tpu.memory_space<vmem>>
      %dma_start3A_1109 = tpu.memref_squeeze %dma_start3A_1108 : memref<1x50x128xf32, #tpu.memory_space<vmem>> -> memref<50x128xf32, #tpu.memory_space<vmem>>
      %dma_start3A_1110 = arith.constant 0 : i32
      %dma_start3A_1111 = tpu.memref_slice %arg5[%add3A_1103, %dma_start3A_1110] : memref<512x50xi32, #tpu.memory_space<vmem>> -> memref<1x50xi32, #tpu.memory_space<vmem>>
      %dma_start3A_1112 = tpu.memref_squeeze %dma_start3A_1111 : memref<1x50xi32, #tpu.memory_space<vmem>> -> memref<50xi32, #tpu.memory_space<vmem>>
      %dma_start3A_1113 = arith.constant 0 : i32
      %dma_start3A_1114 = arith.constant 0 : i32
      %dma_start3A_1115 = tpu.memref_slice %arg3[%dma_start3A_1113, %dma_start3A_1114] : memref<1000000x128xf32, #tpu.memory_space<hbm>> -> memref<1000000x128xf32, #tpu.memory_space<hbm>>
      %dma_start3A_1116 = tpu.memref_slice %arg7[%dma_start3A_1105] : memref<8x!tpu.dma_semaphore, #tpu.memory_space<semaphore_mem>> -> memref<1x!tpu.dma_semaphore, #tpu.memory_space<semaphore_mem>>
      %dma_start3A_1117 = tpu.memref_squeeze %dma_start3A_1116 : memref<1x!tpu.dma_semaphore, #tpu.memory_space<semaphore_mem>> -> memref<!tpu.dma_semaphore, #tpu.memory_space<semaphore_mem>>
      tpu.enqueue_indirect_dma source(%dma_start3A_1115 : memref<1000000x128xf32, #tpu.memory_space<hbm>>) target(%dma_start3A_1109 : memref<50x128xf32, #tpu.memory_space<vmem>>) offsets(%dma_start3A_1112 : memref<50xi32, #tpu.memory_space<vmem>>) semaphore(%dma_start3A_1117 : memref<!tpu.dma_semaphore, #tpu.memory_space<semaphore_mem>>)
      %add3A_1118 = arith.constant 7 : i32
      %add3A_1119 = arith.addi %mul3A_599, %add3A_1118 : i32
      %dma_wait3A_1120 = arith.constant 7 : i32
      %dma_wait3A_1121 = arith.constant 7 : i32
      %dma_wait3A_1122 = arith.constant 0 : i32
      %dma_wait3A_1123 = arith.constant 0 : i32
      %dma_wait3A_1124 = tpu.memref_slice %arg6[%dma_wait3A_1120, %dma_wait3A_1122, %dma_wait3A_1123] : memref<8x50x128xf32, #tpu.memory_space<vmem>> -> memref<1x50x128xf32, #tpu.memory_space<vmem>>
      %dma_wait3A_1125 = tpu.memref_squeeze %dma_wait3A_1124 : memref<1x50x128xf32, #tpu.memory_space<vmem>> -> memref<50x128xf32, #tpu.memory_space<vmem>>
      %dma_wait3A_1126 = arith.constant 0 : i32
      %dma_wait3A_1127 = tpu.memref_slice %arg5[%add3A_1119, %dma_wait3A_1126] : memref<512x50xi32, #tpu.memory_space<vmem>> -> memref<1x50xi32, #tpu.memory_space<vmem>>
      %dma_wait3A_1128 = tpu.memref_squeeze %dma_wait3A_1127 : memref<1x50xi32, #tpu.memory_space<vmem>> -> memref<50xi32, #tpu.memory_space<vmem>>
      %dma_wait3A_1129 = arith.constant 0 : i32
      %dma_wait3A_1130 = arith.constant 0 : i32
      %dma_wait3A_1131 = tpu.memref_slice %arg3[%dma_wait3A_1129, %dma_wait3A_1130] : memref<1000000x128xf32, #tpu.memory_space<hbm>> -> memref<1000000x128xf32, #tpu.memory_space<hbm>>
      %dma_wait3A_1132 = tpu.memref_slice %arg7[%dma_wait3A_1121] : memref<8x!tpu.dma_semaphore, #tpu.memory_space<semaphore_mem>> -> memref<1x!tpu.dma_semaphore, #tpu.memory_space<semaphore_mem>>
      %dma_wait3A_1133 = tpu.memref_squeeze %dma_wait3A_1132 : memref<1x!tpu.dma_semaphore, #tpu.memory_space<semaphore_mem>> -> memref<!tpu.dma_semaphore, #tpu.memory_space<semaphore_mem>>
      tpu.wait_indirect_dma semaphore(%dma_wait3A_1133 : memref<!tpu.dma_semaphore, #tpu.memory_space<semaphore_mem>>) src(%dma_wait3A_1131 : memref<1000000x128xf32, #tpu.memory_space<hbm>>) dst(%dma_wait3A_1125 : memref<50x128xf32, #tpu.memory_space<vmem>>)
      %add3A_1134 = arith.addi %mul3A_2, %add3A_1119 : i32
      %dma_start3A_1135 = arith.constant 7 : i32
      %dma_start3A_1136 = arith.constant 7 : i32
      %dma_start3A_1137 = arith.constant 0 : i32
      %dma_start3A_1138 = arith.constant 0 : i32
      %dma_start3A_1139 = tpu.memref_slice %arg6[%dma_start3A_1135, %dma_start3A_1137, %dma_start3A_1138] : memref<8x50x128xf32, #tpu.memory_space<vmem>> -> memref<1x50x128xf32, #tpu.memory_space<vmem>>
      %dma_start3A_1140 = tpu.memref_squeeze %dma_start3A_1139 : memref<1x50x128xf32, #tpu.memory_space<vmem>> -> memref<50x128xf32, #tpu.memory_space<vmem>>
      %dma_start3A_1141 = arith.constant 0 : i32
      %dma_start3A_1142 = arith.constant 0 : i32
      %dma_start3A_1143 = tpu.memref_slice %arg4[%add3A_1134, %dma_start3A_1141, %dma_start3A_1142] : memref<16384x50x128xf32, #tpu.memory_space<hbm>> -> memref<1x50x128xf32, #tpu.memory_space<hbm>>
      %dma_start3A_1144 = tpu.memref_squeeze %dma_start3A_1143 : memref<1x50x128xf32, #tpu.memory_space<hbm>> -> memref<50x128xf32, #tpu.memory_space<hbm>>
      %dma_start3A_1145 = tpu.memref_slice %arg8[%dma_start3A_1136] : memref<8x!tpu.dma_semaphore, #tpu.memory_space<semaphore_mem>> -> memref<1x!tpu.dma_semaphore, #tpu.memory_space<semaphore_mem>>
      %dma_start3A_1146 = tpu.memref_squeeze %dma_start3A_1145 : memref<1x!tpu.dma_semaphore, #tpu.memory_space<semaphore_mem>> -> memref<!tpu.dma_semaphore, #tpu.memory_space<semaphore_mem>>
      %dma_start3A_1147 = arith.constant 0 : i32
      %dma_start3A_1148 = arith.constant 0 : i32
      %dma_start3A_1149 = tpu.memref_slice %arg4[%add3A_1134, %dma_start3A_1147, %dma_start3A_1148] : memref<16384x50x128xf32, #tpu.memory_space<hbm>> -> memref<1x50x128xf32, #tpu.memory_space<hbm>>
      %dma_start3A_1150 = tpu.memref_squeeze %dma_start3A_1149 : memref<1x50x128xf32, #tpu.memory_space<hbm>> -> memref<50x128xf32, #tpu.memory_space<hbm>>
      %dma_start3A_1151 = arith.constant 0 : i32
      %dma_start3A_1152 = arith.constant 0 : i32
      %dma_start3A_1153 = tpu.memref_slice %arg6[%dma_start3A_1135, %dma_start3A_1151, %dma_start3A_1152] : memref<8x50x128xf32, #tpu.memory_space<vmem>> -> memref<1x50x128xf32, #tpu.memory_space<vmem>>
      %dma_start3A_1154 = tpu.memref_squeeze %dma_start3A_1153 : memref<1x50x128xf32, #tpu.memory_space<vmem>> -> memref<50x128xf32, #tpu.memory_space<vmem>>
      tpu.enqueue_dma source(%dma_start3A_1154 : memref<50x128xf32, #tpu.memory_space<vmem>>) target(%dma_start3A_1150 : memref<50x128xf32, #tpu.memory_space<hbm>>) target_semaphore(%dma_start3A_1146 : memref<!tpu.dma_semaphore, #tpu.memory_space<semaphore_mem>>)
      %add3A_1155 = arith.addi %mul3A_2, %add3A_1119 : i32
      %dma_wait3A_1156 = arith.constant 7 : i32
      %dma_wait3A_1157 = arith.constant 7 : i32
      %dma_wait3A_1158 = arith.constant 0 : i32
      %dma_wait3A_1159 = arith.constant 0 : i32
      %dma_wait3A_1160 = tpu.memref_slice %arg6[%dma_wait3A_1156, %dma_wait3A_1158, %dma_wait3A_1159] : memref<8x50x128xf32, #tpu.memory_space<vmem>> -> memref<1x50x128xf32, #tpu.memory_space<vmem>>
      %dma_wait3A_1161 = tpu.memref_squeeze %dma_wait3A_1160 : memref<1x50x128xf32, #tpu.memory_space<vmem>> -> memref<50x128xf32, #tpu.memory_space<vmem>>
      %dma_wait3A_1162 = arith.constant 0 : i32
      %dma_wait3A_1163 = arith.constant 0 : i32
      %dma_wait3A_1164 = tpu.memref_slice %arg4[%add3A_1155, %dma_wait3A_1162, %dma_wait3A_1163] : memref<16384x50x128xf32, #tpu.memory_space<hbm>> -> memref<1x50x128xf32, #tpu.memory_space<hbm>>
      %dma_wait3A_1165 = tpu.memref_squeeze %dma_wait3A_1164 : memref<1x50x128xf32, #tpu.memory_space<hbm>> -> memref<50x128xf32, #tpu.memory_space<hbm>>
      %dma_wait3A_1166 = tpu.memref_slice %arg8[%dma_wait3A_1157] : memref<8x!tpu.dma_semaphore, #tpu.memory_space<semaphore_mem>> -> memref<1x!tpu.dma_semaphore, #tpu.memory_space<semaphore_mem>>
      %dma_wait3A_1167 = tpu.memref_squeeze %dma_wait3A_1166 : memref<1x!tpu.dma_semaphore, #tpu.memory_space<semaphore_mem>> -> memref<!tpu.dma_semaphore, #tpu.memory_space<semaphore_mem>>
      %dma_wait3A_1168 = arith.constant 0 : i32
      %dma_wait3A_1169 = arith.constant 0 : i32
      %dma_wait3A_1170 = tpu.memref_slice %arg4[%add3A_1155, %dma_wait3A_1168, %dma_wait3A_1169] : memref<16384x50x128xf32, #tpu.memory_space<hbm>> -> memref<1x50x128xf32, #tpu.memory_space<hbm>>
      %dma_wait3A_1171 = tpu.memref_squeeze %dma_wait3A_1170 : memref<1x50x128xf32, #tpu.memory_space<hbm>> -> memref<50x128xf32, #tpu.memory_space<hbm>>
      %dma_wait3A_1172 = arith.constant 0 : i32
      %dma_wait3A_1173 = arith.constant 0 : i32
      %dma_wait3A_1174 = tpu.memref_slice %arg6[%dma_wait3A_1156, %dma_wait3A_1172, %dma_wait3A_1173] : memref<8x50x128xf32, #tpu.memory_space<vmem>> -> memref<1x50x128xf32, #tpu.memory_space<vmem>>
      %dma_wait3A_1175 = tpu.memref_squeeze %dma_wait3A_1174 : memref<1x50x128xf32, #tpu.memory_space<vmem>> -> memref<50x128xf32, #tpu.memory_space<vmem>>
      tpu.wait_dma2 semaphore(%dma_wait3A_1167 : memref<!tpu.dma_semaphore, #tpu.memory_space<semaphore_mem>>) src(%dma_wait3A_1175 : memref<50x128xf32, #tpu.memory_space<vmem>>) dst(%dma_wait3A_1171 : memref<50x128xf32, #tpu.memory_space<hbm>>)
      %add3A_1176 = arith.constant 8 : i32
      %add3A_1177 = arith.addi %add3A_1119, %add3A_1176 : i32
      %dma_start3A_1178 = arith.constant 7 : i32
      %dma_start3A_1179 = arith.constant 7 : i32
      %dma_start3A_1180 = arith.constant 0 : i32
      %dma_start3A_1181 = arith.constant 0 : i32
      %dma_start3A_1182 = tpu.memref_slice %arg6[%dma_start3A_1178, %dma_start3A_1180, %dma_start3A_1181] : memref<8x50x128xf32, #tpu.memory_space<vmem>> -> memref<1x50x128xf32, #tpu.memory_space<vmem>>
      %dma_start3A_1183 = tpu.memref_squeeze %dma_start3A_1182 : memref<1x50x128xf32, #tpu.memory_space<vmem>> -> memref<50x128xf32, #tpu.memory_space<vmem>>
      %dma_start3A_1184 = arith.constant 0 : i32
      %dma_start3A_1185 = tpu.memref_slice %arg5[%add3A_1177, %dma_start3A_1184] : memref<512x50xi32, #tpu.memory_space<vmem>> -> memref<1x50xi32, #tpu.memory_space<vmem>>
      %dma_start3A_1186 = tpu.memref_squeeze %dma_start3A_1185 : memref<1x50xi32, #tpu.memory_space<vmem>> -> memref<50xi32, #tpu.memory_space<vmem>>
      %dma_start3A_1187 = arith.constant 0 : i32
      %dma_start3A_1188 = arith.constant 0 : i32
      %dma_start3A_1189 = tpu.memref_slice %arg3[%dma_start3A_1187, %dma_start3A_1188] : memref<1000000x128xf32, #tpu.memory_space<hbm>> -> memref<1000000x128xf32, #tpu.memory_space<hbm>>
      %dma_start3A_1190 = tpu.memref_slice %arg7[%dma_start3A_1179] : memref<8x!tpu.dma_semaphore, #tpu.memory_space<semaphore_mem>> -> memref<1x!tpu.dma_semaphore, #tpu.memory_space<semaphore_mem>>
      %dma_start3A_1191 = tpu.memref_squeeze %dma_start3A_1190 : memref<1x!tpu.dma_semaphore, #tpu.memory_space<semaphore_mem>> -> memref<!tpu.dma_semaphore, #tpu.memory_space<semaphore_mem>>
      tpu.enqueue_indirect_dma source(%dma_start3A_1189 : memref<1000000x128xf32, #tpu.memory_space<hbm>>) target(%dma_start3A_1183 : memref<50x128xf32, #tpu.memory_space<vmem>>) offsets(%dma_start3A_1186 : memref<50xi32, #tpu.memory_space<vmem>>) semaphore(%dma_start3A_1191 : memref<!tpu.dma_semaphore, #tpu.memory_space<semaphore_mem>>)
    }
    %scan3A_125 = arith.constant 63 : i32
    %dma_wait3A = arith.constant 504 : i32
    %dma_wait3A_126 = arith.constant 0 : i32
    %dma_wait3A_127 = arith.constant 0 : i32
    %dma_wait3A_128 = arith.constant 0 : i32
    %dma_wait3A_129 = arith.constant 0 : i32
    %dma_wait3A_130 = tpu.memref_slice %arg6[%dma_wait3A_126, %dma_wait3A_128, %dma_wait3A_129] : memref<8x50x128xf32, #tpu.memory_space<vmem>> -> memref<1x50x128xf32, #tpu.memory_space<vmem>>
    %dma_wait3A_131 = tpu.memref_squeeze %dma_wait3A_130 : memref<1x50x128xf32, #tpu.memory_space<vmem>> -> memref<50x128xf32, #tpu.memory_space<vmem>>
    %dma_wait3A_132 = arith.constant 0 : i32
    %dma_wait3A_133 = tpu.memref_slice %arg5[%dma_wait3A, %dma_wait3A_132] : memref<512x50xi32, #tpu.memory_space<vmem>> -> memref<1x50xi32, #tpu.memory_space<vmem>>
    %dma_wait3A_134 = tpu.memref_squeeze %dma_wait3A_133 : memref<1x50xi32, #tpu.memory_space<vmem>> -> memref<50xi32, #tpu.memory_space<vmem>>
    %dma_wait3A_135 = arith.constant 0 : i32
    %dma_wait3A_136 = arith.constant 0 : i32
    %dma_wait3A_137 = tpu.memref_slice %arg3[%dma_wait3A_135, %dma_wait3A_136] : memref<1000000x128xf32, #tpu.memory_space<hbm>> -> memref<1000000x128xf32, #tpu.memory_space<hbm>>
    %dma_wait3A_138 = tpu.memref_slice %arg7[%dma_wait3A_127] : memref<8x!tpu.dma_semaphore, #tpu.memory_space<semaphore_mem>> -> memref<1x!tpu.dma_semaphore, #tpu.memory_space<semaphore_mem>>
    %dma_wait3A_139 = tpu.memref_squeeze %dma_wait3A_138 : memref<1x!tpu.dma_semaphore, #tpu.memory_space<semaphore_mem>> -> memref<!tpu.dma_semaphore, #tpu.memory_space<semaphore_mem>>
    tpu.wait_indirect_dma semaphore(%dma_wait3A_139 : memref<!tpu.dma_semaphore, #tpu.memory_space<semaphore_mem>>) src(%dma_wait3A_137 : memref<1000000x128xf32, #tpu.memory_space<hbm>>) dst(%dma_wait3A_131 : memref<50x128xf32, #tpu.memory_space<vmem>>)
    %add3A_140 = arith.constant 504 : i32
    %add3A_141 = arith.addi %mul3A_2, %add3A_140 : i32
    %dma_start3A_142 = arith.constant 0 : i32
    %dma_start3A_143 = arith.constant 0 : i32
    %dma_start3A_144 = arith.constant 0 : i32
    %dma_start3A_145 = arith.constant 0 : i32
    %dma_start3A_146 = tpu.memref_slice %arg6[%dma_start3A_142, %dma_start3A_144, %dma_start3A_145] : memref<8x50x128xf32, #tpu.memory_space<vmem>> -> memref<1x50x128xf32, #tpu.memory_space<vmem>>
    %dma_start3A_147 = tpu.memref_squeeze %dma_start3A_146 : memref<1x50x128xf32, #tpu.memory_space<vmem>> -> memref<50x128xf32, #tpu.memory_space<vmem>>
    %dma_start3A_148 = arith.constant 0 : i32
    %dma_start3A_149 = arith.constant 0 : i32
    %dma_start3A_150 = tpu.memref_slice %arg4[%add3A_141, %dma_start3A_148, %dma_start3A_149] : memref<16384x50x128xf32, #tpu.memory_space<hbm>> -> memref<1x50x128xf32, #tpu.memory_space<hbm>>
    %dma_start3A_151 = tpu.memref_squeeze %dma_start3A_150 : memref<1x50x128xf32, #tpu.memory_space<hbm>> -> memref<50x128xf32, #tpu.memory_space<hbm>>
    %dma_start3A_152 = tpu.memref_slice %arg8[%dma_start3A_143] : memref<8x!tpu.dma_semaphore, #tpu.memory_space<semaphore_mem>> -> memref<1x!tpu.dma_semaphore, #tpu.memory_space<semaphore_mem>>
    %dma_start3A_153 = tpu.memref_squeeze %dma_start3A_152 : memref<1x!tpu.dma_semaphore, #tpu.memory_space<semaphore_mem>> -> memref<!tpu.dma_semaphore, #tpu.memory_space<semaphore_mem>>
    %dma_start3A_154 = arith.constant 0 : i32
    %dma_start3A_155 = arith.constant 0 : i32
    %dma_start3A_156 = tpu.memref_slice %arg4[%add3A_141, %dma_start3A_154, %dma_start3A_155] : memref<16384x50x128xf32, #tpu.memory_space<hbm>> -> memref<1x50x128xf32, #tpu.memory_space<hbm>>
    %dma_start3A_157 = tpu.memref_squeeze %dma_start3A_156 : memref<1x50x128xf32, #tpu.memory_space<hbm>> -> memref<50x128xf32, #tpu.memory_space<hbm>>
    %dma_start3A_158 = arith.constant 0 : i32
    %dma_start3A_159 = arith.constant 0 : i32
    %dma_start3A_160 = tpu.memref_slice %arg6[%dma_start3A_142, %dma_start3A_158, %dma_start3A_159] : memref<8x50x128xf32, #tpu.memory_space<vmem>> -> memref<1x50x128xf32, #tpu.memory_space<vmem>>
    %dma_start3A_161 = tpu.memref_squeeze %dma_start3A_160 : memref<1x50x128xf32, #tpu.memory_space<vmem>> -> memref<50x128xf32, #tpu.memory_space<vmem>>
    tpu.enqueue_dma source(%dma_start3A_161 : memref<50x128xf32, #tpu.memory_space<vmem>>) target(%dma_start3A_157 : memref<50x128xf32, #tpu.memory_space<hbm>>) target_semaphore(%dma_start3A_153 : memref<!tpu.dma_semaphore, #tpu.memory_space<semaphore_mem>>)
    %dma_wait3A_162 = arith.constant 505 : i32
    %dma_wait3A_163 = arith.constant 1 : i32
    %dma_wait3A_164 = arith.constant 1 : i32
    %dma_wait3A_165 = arith.constant 0 : i32
    %dma_wait3A_166 = arith.constant 0 : i32
    %dma_wait3A_167 = tpu.memref_slice %arg6[%dma_wait3A_163, %dma_wait3A_165, %dma_wait3A_166] : memref<8x50x128xf32, #tpu.memory_space<vmem>> -> memref<1x50x128xf32, #tpu.memory_space<vmem>>
    %dma_wait3A_168 = tpu.memref_squeeze %dma_wait3A_167 : memref<1x50x128xf32, #tpu.memory_space<vmem>> -> memref<50x128xf32, #tpu.memory_space<vmem>>
    %dma_wait3A_169 = arith.constant 0 : i32
    %dma_wait3A_170 = tpu.memref_slice %arg5[%dma_wait3A_162, %dma_wait3A_169] : memref<512x50xi32, #tpu.memory_space<vmem>> -> memref<1x50xi32, #tpu.memory_space<vmem>>
    %dma_wait3A_171 = tpu.memref_squeeze %dma_wait3A_170 : memref<1x50xi32, #tpu.memory_space<vmem>> -> memref<50xi32, #tpu.memory_space<vmem>>
    %dma_wait3A_172 = arith.constant 0 : i32
    %dma_wait3A_173 = arith.constant 0 : i32
    %dma_wait3A_174 = tpu.memref_slice %arg3[%dma_wait3A_172, %dma_wait3A_173] : memref<1000000x128xf32, #tpu.memory_space<hbm>> -> memref<1000000x128xf32, #tpu.memory_space<hbm>>
    %dma_wait3A_175 = tpu.memref_slice %arg7[%dma_wait3A_164] : memref<8x!tpu.dma_semaphore, #tpu.memory_space<semaphore_mem>> -> memref<1x!tpu.dma_semaphore, #tpu.memory_space<semaphore_mem>>
    %dma_wait3A_176 = tpu.memref_squeeze %dma_wait3A_175 : memref<1x!tpu.dma_semaphore, #tpu.memory_space<semaphore_mem>> -> memref<!tpu.dma_semaphore, #tpu.memory_space<semaphore_mem>>
    tpu.wait_indirect_dma semaphore(%dma_wait3A_176 : memref<!tpu.dma_semaphore, #tpu.memory_space<semaphore_mem>>) src(%dma_wait3A_174 : memref<1000000x128xf32, #tpu.memory_space<hbm>>) dst(%dma_wait3A_168 : memref<50x128xf32, #tpu.memory_space<vmem>>)
    %add3A_177 = arith.constant 505 : i32
    %add3A_178 = arith.addi %mul3A_2, %add3A_177 : i32
    %dma_start3A_179 = arith.constant 1 : i32
    %dma_start3A_180 = arith.constant 1 : i32
    %dma_start3A_181 = arith.constant 0 : i32
    %dma_start3A_182 = arith.constant 0 : i32
    %dma_start3A_183 = tpu.memref_slice %arg6[%dma_start3A_179, %dma_start3A_181, %dma_start3A_182] : memref<8x50x128xf32, #tpu.memory_space<vmem>> -> memref<1x50x128xf32, #tpu.memory_space<vmem>>
    %dma_start3A_184 = tpu.memref_squeeze %dma_start3A_183 : memref<1x50x128xf32, #tpu.memory_space<vmem>> -> memref<50x128xf32, #tpu.memory_space<vmem>>
    %dma_start3A_185 = arith.constant 0 : i32
    %dma_start3A_186 = arith.constant 0 : i32
    %dma_start3A_187 = tpu.memref_slice %arg4[%add3A_178, %dma_start3A_185, %dma_start3A_186] : memref<16384x50x128xf32, #tpu.memory_space<hbm>> -> memref<1x50x128xf32, #tpu.memory_space<hbm>>
    %dma_start3A_188 = tpu.memref_squeeze %dma_start3A_187 : memref<1x50x128xf32, #tpu.memory_space<hbm>> -> memref<50x128xf32, #tpu.memory_space<hbm>>
    %dma_start3A_189 = tpu.memref_slice %arg8[%dma_start3A_180] : memref<8x!tpu.dma_semaphore, #tpu.memory_space<semaphore_mem>> -> memref<1x!tpu.dma_semaphore, #tpu.memory_space<semaphore_mem>>
    %dma_start3A_190 = tpu.memref_squeeze %dma_start3A_189 : memref<1x!tpu.dma_semaphore, #tpu.memory_space<semaphore_mem>> -> memref<!tpu.dma_semaphore, #tpu.memory_space<semaphore_mem>>
    %dma_start3A_191 = arith.constant 0 : i32
    %dma_start3A_192 = arith.constant 0 : i32
    %dma_start3A_193 = tpu.memref_slice %arg4[%add3A_178, %dma_start3A_191, %dma_start3A_192] : memref<16384x50x128xf32, #tpu.memory_space<hbm>> -> memref<1x50x128xf32, #tpu.memory_space<hbm>>
    %dma_start3A_194 = tpu.memref_squeeze %dma_start3A_193 : memref<1x50x128xf32, #tpu.memory_space<hbm>> -> memref<50x128xf32, #tpu.memory_space<hbm>>
    %dma_start3A_195 = arith.constant 0 : i32
    %dma_start3A_196 = arith.constant 0 : i32
    %dma_start3A_197 = tpu.memref_slice %arg6[%dma_start3A_179, %dma_start3A_195, %dma_start3A_196] : memref<8x50x128xf32, #tpu.memory_space<vmem>> -> memref<1x50x128xf32, #tpu.memory_space<vmem>>
    %dma_start3A_198 = tpu.memref_squeeze %dma_start3A_197 : memref<1x50x128xf32, #tpu.memory_space<vmem>> -> memref<50x128xf32, #tpu.memory_space<vmem>>
    tpu.enqueue_dma source(%dma_start3A_198 : memref<50x128xf32, #tpu.memory_space<vmem>>) target(%dma_start3A_194 : memref<50x128xf32, #tpu.memory_space<hbm>>) target_semaphore(%dma_start3A_190 : memref<!tpu.dma_semaphore, #tpu.memory_space<semaphore_mem>>)
    %dma_wait3A_199 = arith.constant 506 : i32
    %dma_wait3A_200 = arith.constant 2 : i32
    %dma_wait3A_201 = arith.constant 2 : i32
    %dma_wait3A_202 = arith.constant 0 : i32
    %dma_wait3A_203 = arith.constant 0 : i32
    %dma_wait3A_204 = tpu.memref_slice %arg6[%dma_wait3A_200, %dma_wait3A_202, %dma_wait3A_203] : memref<8x50x128xf32, #tpu.memory_space<vmem>> -> memref<1x50x128xf32, #tpu.memory_space<vmem>>
    %dma_wait3A_205 = tpu.memref_squeeze %dma_wait3A_204 : memref<1x50x128xf32, #tpu.memory_space<vmem>> -> memref<50x128xf32, #tpu.memory_space<vmem>>
    %dma_wait3A_206 = arith.constant 0 : i32
    %dma_wait3A_207 = tpu.memref_slice %arg5[%dma_wait3A_199, %dma_wait3A_206] : memref<512x50xi32, #tpu.memory_space<vmem>> -> memref<1x50xi32, #tpu.memory_space<vmem>>
    %dma_wait3A_208 = tpu.memref_squeeze %dma_wait3A_207 : memref<1x50xi32, #tpu.memory_space<vmem>> -> memref<50xi32, #tpu.memory_space<vmem>>
    %dma_wait3A_209 = arith.constant 0 : i32
    %dma_wait3A_210 = arith.constant 0 : i32
    %dma_wait3A_211 = tpu.memref_slice %arg3[%dma_wait3A_209, %dma_wait3A_210] : memref<1000000x128xf32, #tpu.memory_space<hbm>> -> memref<1000000x128xf32, #tpu.memory_space<hbm>>
    %dma_wait3A_212 = tpu.memref_slice %arg7[%dma_wait3A_201] : memref<8x!tpu.dma_semaphore, #tpu.memory_space<semaphore_mem>> -> memref<1x!tpu.dma_semaphore, #tpu.memory_space<semaphore_mem>>
    %dma_wait3A_213 = tpu.memref_squeeze %dma_wait3A_212 : memref<1x!tpu.dma_semaphore, #tpu.memory_space<semaphore_mem>> -> memref<!tpu.dma_semaphore, #tpu.memory_space<semaphore_mem>>
    tpu.wait_indirect_dma semaphore(%dma_wait3A_213 : memref<!tpu.dma_semaphore, #tpu.memory_space<semaphore_mem>>) src(%dma_wait3A_211 : memref<1000000x128xf32, #tpu.memory_space<hbm>>) dst(%dma_wait3A_205 : memref<50x128xf32, #tpu.memory_space<vmem>>)
    %add3A_214 = arith.constant 506 : i32
    %add3A_215 = arith.addi %mul3A_2, %add3A_214 : i32
    %dma_start3A_216 = arith.constant 2 : i32
    %dma_start3A_217 = arith.constant 2 : i32
    %dma_start3A_218 = arith.constant 0 : i32
    %dma_start3A_219 = arith.constant 0 : i32
    %dma_start3A_220 = tpu.memref_slice %arg6[%dma_start3A_216, %dma_start3A_218, %dma_start3A_219] : memref<8x50x128xf32, #tpu.memory_space<vmem>> -> memref<1x50x128xf32, #tpu.memory_space<vmem>>
    %dma_start3A_221 = tpu.memref_squeeze %dma_start3A_220 : memref<1x50x128xf32, #tpu.memory_space<vmem>> -> memref<50x128xf32, #tpu.memory_space<vmem>>
    %dma_start3A_222 = arith.constant 0 : i32
    %dma_start3A_223 = arith.constant 0 : i32
    %dma_start3A_224 = tpu.memref_slice %arg4[%add3A_215, %dma_start3A_222, %dma_start3A_223] : memref<16384x50x128xf32, #tpu.memory_space<hbm>> -> memref<1x50x128xf32, #tpu.memory_space<hbm>>
    %dma_start3A_225 = tpu.memref_squeeze %dma_start3A_224 : memref<1x50x128xf32, #tpu.memory_space<hbm>> -> memref<50x128xf32, #tpu.memory_space<hbm>>
    %dma_start3A_226 = tpu.memref_slice %arg8[%dma_start3A_217] : memref<8x!tpu.dma_semaphore, #tpu.memory_space<semaphore_mem>> -> memref<1x!tpu.dma_semaphore, #tpu.memory_space<semaphore_mem>>
    %dma_start3A_227 = tpu.memref_squeeze %dma_start3A_226 : memref<1x!tpu.dma_semaphore, #tpu.memory_space<semaphore_mem>> -> memref<!tpu.dma_semaphore, #tpu.memory_space<semaphore_mem>>
    %dma_start3A_228 = arith.constant 0 : i32
    %dma_start3A_229 = arith.constant 0 : i32
    %dma_start3A_230 = tpu.memref_slice %arg4[%add3A_215, %dma_start3A_228, %dma_start3A_229] : memref<16384x50x128xf32, #tpu.memory_space<hbm>> -> memref<1x50x128xf32, #tpu.memory_space<hbm>>
    %dma_start3A_231 = tpu.memref_squeeze %dma_start3A_230 : memref<1x50x128xf32, #tpu.memory_space<hbm>> -> memref<50x128xf32, #tpu.memory_space<hbm>>
    %dma_start3A_232 = arith.constant 0 : i32
    %dma_start3A_233 = arith.constant 0 : i32
    %dma_start3A_234 = tpu.memref_slice %arg6[%dma_start3A_216, %dma_start3A_232, %dma_start3A_233] : memref<8x50x128xf32, #tpu.memory_space<vmem>> -> memref<1x50x128xf32, #tpu.memory_space<vmem>>
    %dma_start3A_235 = tpu.memref_squeeze %dma_start3A_234 : memref<1x50x128xf32, #tpu.memory_space<vmem>> -> memref<50x128xf32, #tpu.memory_space<vmem>>
    tpu.enqueue_dma source(%dma_start3A_235 : memref<50x128xf32, #tpu.memory_space<vmem>>) target(%dma_start3A_231 : memref<50x128xf32, #tpu.memory_space<hbm>>) target_semaphore(%dma_start3A_227 : memref<!tpu.dma_semaphore, #tpu.memory_space<semaphore_mem>>)
    %dma_wait3A_236 = arith.constant 507 : i32
    %dma_wait3A_237 = arith.constant 3 : i32
    %dma_wait3A_238 = arith.constant 3 : i32
    %dma_wait3A_239 = arith.constant 0 : i32
    %dma_wait3A_240 = arith.constant 0 : i32
    %dma_wait3A_241 = tpu.memref_slice %arg6[%dma_wait3A_237, %dma_wait3A_239, %dma_wait3A_240] : memref<8x50x128xf32, #tpu.memory_space<vmem>> -> memref<1x50x128xf32, #tpu.memory_space<vmem>>
    %dma_wait3A_242 = tpu.memref_squeeze %dma_wait3A_241 : memref<1x50x128xf32, #tpu.memory_space<vmem>> -> memref<50x128xf32, #tpu.memory_space<vmem>>
    %dma_wait3A_243 = arith.constant 0 : i32
    %dma_wait3A_244 = tpu.memref_slice %arg5[%dma_wait3A_236, %dma_wait3A_243] : memref<512x50xi32, #tpu.memory_space<vmem>> -> memref<1x50xi32, #tpu.memory_space<vmem>>
    %dma_wait3A_245 = tpu.memref_squeeze %dma_wait3A_244 : memref<1x50xi32, #tpu.memory_space<vmem>> -> memref<50xi32, #tpu.memory_space<vmem>>
    %dma_wait3A_246 = arith.constant 0 : i32
    %dma_wait3A_247 = arith.constant 0 : i32
    %dma_wait3A_248 = tpu.memref_slice %arg3[%dma_wait3A_246, %dma_wait3A_247] : memref<1000000x128xf32, #tpu.memory_space<hbm>> -> memref<1000000x128xf32, #tpu.memory_space<hbm>>
    %dma_wait3A_249 = tpu.memref_slice %arg7[%dma_wait3A_238] : memref<8x!tpu.dma_semaphore, #tpu.memory_space<semaphore_mem>> -> memref<1x!tpu.dma_semaphore, #tpu.memory_space<semaphore_mem>>
    %dma_wait3A_250 = tpu.memref_squeeze %dma_wait3A_249 : memref<1x!tpu.dma_semaphore, #tpu.memory_space<semaphore_mem>> -> memref<!tpu.dma_semaphore, #tpu.memory_space<semaphore_mem>>
    tpu.wait_indirect_dma semaphore(%dma_wait3A_250 : memref<!tpu.dma_semaphore, #tpu.memory_space<semaphore_mem>>) src(%dma_wait3A_248 : memref<1000000x128xf32, #tpu.memory_space<hbm>>) dst(%dma_wait3A_242 : memref<50x128xf32, #tpu.memory_space<vmem>>)
    %add3A_251 = arith.constant 507 : i32
    %add3A_252 = arith.addi %mul3A_2, %add3A_251 : i32
    %dma_start3A_253 = arith.constant 3 : i32
    %dma_start3A_254 = arith.constant 3 : i32
    %dma_start3A_255 = arith.constant 0 : i32
    %dma_start3A_256 = arith.constant 0 : i32
    %dma_start3A_257 = tpu.memref_slice %arg6[%dma_start3A_253, %dma_start3A_255, %dma_start3A_256] : memref<8x50x128xf32, #tpu.memory_space<vmem>> -> memref<1x50x128xf32, #tpu.memory_space<vmem>>
    %dma_start3A_258 = tpu.memref_squeeze %dma_start3A_257 : memref<1x50x128xf32, #tpu.memory_space<vmem>> -> memref<50x128xf32, #tpu.memory_space<vmem>>
    %dma_start3A_259 = arith.constant 0 : i32
    %dma_start3A_260 = arith.constant 0 : i32
    %dma_start3A_261 = tpu.memref_slice %arg4[%add3A_252, %dma_start3A_259, %dma_start3A_260] : memref<16384x50x128xf32, #tpu.memory_space<hbm>> -> memref<1x50x128xf32, #tpu.memory_space<hbm>>
    %dma_start3A_262 = tpu.memref_squeeze %dma_start3A_261 : memref<1x50x128xf32, #tpu.memory_space<hbm>> -> memref<50x128xf32, #tpu.memory_space<hbm>>
    %dma_start3A_263 = tpu.memref_slice %arg8[%dma_start3A_254] : memref<8x!tpu.dma_semaphore, #tpu.memory_space<semaphore_mem>> -> memref<1x!tpu.dma_semaphore, #tpu.memory_space<semaphore_mem>>
    %dma_start3A_264 = tpu.memref_squeeze %dma_start3A_263 : memref<1x!tpu.dma_semaphore, #tpu.memory_space<semaphore_mem>> -> memref<!tpu.dma_semaphore, #tpu.memory_space<semaphore_mem>>
    %dma_start3A_265 = arith.constant 0 : i32
    %dma_start3A_266 = arith.constant 0 : i32
    %dma_start3A_267 = tpu.memref_slice %arg4[%add3A_252, %dma_start3A_265, %dma_start3A_266] : memref<16384x50x128xf32, #tpu.memory_space<hbm>> -> memref<1x50x128xf32, #tpu.memory_space<hbm>>
    %dma_start3A_268 = tpu.memref_squeeze %dma_start3A_267 : memref<1x50x128xf32, #tpu.memory_space<hbm>> -> memref<50x128xf32, #tpu.memory_space<hbm>>
    %dma_start3A_269 = arith.constant 0 : i32
    %dma_start3A_270 = arith.constant 0 : i32
    %dma_start3A_271 = tpu.memref_slice %arg6[%dma_start3A_253, %dma_start3A_269, %dma_start3A_270] : memref<8x50x128xf32, #tpu.memory_space<vmem>> -> memref<1x50x128xf32, #tpu.memory_space<vmem>>
    %dma_start3A_272 = tpu.memref_squeeze %dma_start3A_271 : memref<1x50x128xf32, #tpu.memory_space<vmem>> -> memref<50x128xf32, #tpu.memory_space<vmem>>
    tpu.enqueue_dma source(%dma_start3A_272 : memref<50x128xf32, #tpu.memory_space<vmem>>) target(%dma_start3A_268 : memref<50x128xf32, #tpu.memory_space<hbm>>) target_semaphore(%dma_start3A_264 : memref<!tpu.dma_semaphore, #tpu.memory_space<semaphore_mem>>)
    %dma_wait3A_273 = arith.constant 508 : i32
    %dma_wait3A_274 = arith.constant 4 : i32
    %dma_wait3A_275 = arith.constant 4 : i32
    %dma_wait3A_276 = arith.constant 0 : i32
    %dma_wait3A_277 = arith.constant 0 : i32
    %dma_wait3A_278 = tpu.memref_slice %arg6[%dma_wait3A_274, %dma_wait3A_276, %dma_wait3A_277] : memref<8x50x128xf32, #tpu.memory_space<vmem>> -> memref<1x50x128xf32, #tpu.memory_space<vmem>>
    %dma_wait3A_279 = tpu.memref_squeeze %dma_wait3A_278 : memref<1x50x128xf32, #tpu.memory_space<vmem>> -> memref<50x128xf32, #tpu.memory_space<vmem>>
    %dma_wait3A_280 = arith.constant 0 : i32
    %dma_wait3A_281 = tpu.memref_slice %arg5[%dma_wait3A_273, %dma_wait3A_280] : memref<512x50xi32, #tpu.memory_space<vmem>> -> memref<1x50xi32, #tpu.memory_space<vmem>>
    %dma_wait3A_282 = tpu.memref_squeeze %dma_wait3A_281 : memref<1x50xi32, #tpu.memory_space<vmem>> -> memref<50xi32, #tpu.memory_space<vmem>>
    %dma_wait3A_283 = arith.constant 0 : i32
    %dma_wait3A_284 = arith.constant 0 : i32
    %dma_wait3A_285 = tpu.memref_slice %arg3[%dma_wait3A_283, %dma_wait3A_284] : memref<1000000x128xf32, #tpu.memory_space<hbm>> -> memref<1000000x128xf32, #tpu.memory_space<hbm>>
    %dma_wait3A_286 = tpu.memref_slice %arg7[%dma_wait3A_275] : memref<8x!tpu.dma_semaphore, #tpu.memory_space<semaphore_mem>> -> memref<1x!tpu.dma_semaphore, #tpu.memory_space<semaphore_mem>>
    %dma_wait3A_287 = tpu.memref_squeeze %dma_wait3A_286 : memref<1x!tpu.dma_semaphore, #tpu.memory_space<semaphore_mem>> -> memref<!tpu.dma_semaphore, #tpu.memory_space<semaphore_mem>>
    tpu.wait_indirect_dma semaphore(%dma_wait3A_287 : memref<!tpu.dma_semaphore, #tpu.memory_space<semaphore_mem>>) src(%dma_wait3A_285 : memref<1000000x128xf32, #tpu.memory_space<hbm>>) dst(%dma_wait3A_279 : memref<50x128xf32, #tpu.memory_space<vmem>>)
    %add3A_288 = arith.constant 508 : i32
    %add3A_289 = arith.addi %mul3A_2, %add3A_288 : i32
    %dma_start3A_290 = arith.constant 4 : i32
    %dma_start3A_291 = arith.constant 4 : i32
    %dma_start3A_292 = arith.constant 0 : i32
    %dma_start3A_293 = arith.constant 0 : i32
    %dma_start3A_294 = tpu.memref_slice %arg6[%dma_start3A_290, %dma_start3A_292, %dma_start3A_293] : memref<8x50x128xf32, #tpu.memory_space<vmem>> -> memref<1x50x128xf32, #tpu.memory_space<vmem>>
    %dma_start3A_295 = tpu.memref_squeeze %dma_start3A_294 : memref<1x50x128xf32, #tpu.memory_space<vmem>> -> memref<50x128xf32, #tpu.memory_space<vmem>>
    %dma_start3A_296 = arith.constant 0 : i32
    %dma_start3A_297 = arith.constant 0 : i32
    %dma_start3A_298 = tpu.memref_slice %arg4[%add3A_289, %dma_start3A_296, %dma_start3A_297] : memref<16384x50x128xf32, #tpu.memory_space<hbm>> -> memref<1x50x128xf32, #tpu.memory_space<hbm>>
    %dma_start3A_299 = tpu.memref_squeeze %dma_start3A_298 : memref<1x50x128xf32, #tpu.memory_space<hbm>> -> memref<50x128xf32, #tpu.memory_space<hbm>>
    %dma_start3A_300 = tpu.memref_slice %arg8[%dma_start3A_291] : memref<8x!tpu.dma_semaphore, #tpu.memory_space<semaphore_mem>> -> memref<1x!tpu.dma_semaphore, #tpu.memory_space<semaphore_mem>>
    %dma_start3A_301 = tpu.memref_squeeze %dma_start3A_300 : memref<1x!tpu.dma_semaphore, #tpu.memory_space<semaphore_mem>> -> memref<!tpu.dma_semaphore, #tpu.memory_space<semaphore_mem>>
    %dma_start3A_302 = arith.constant 0 : i32
    %dma_start3A_303 = arith.constant 0 : i32
    %dma_start3A_304 = tpu.memref_slice %arg4[%add3A_289, %dma_start3A_302, %dma_start3A_303] : memref<16384x50x128xf32, #tpu.memory_space<hbm>> -> memref<1x50x128xf32, #tpu.memory_space<hbm>>
    %dma_start3A_305 = tpu.memref_squeeze %dma_start3A_304 : memref<1x50x128xf32, #tpu.memory_space<hbm>> -> memref<50x128xf32, #tpu.memory_space<hbm>>
    %dma_start3A_306 = arith.constant 0 : i32
    %dma_start3A_307 = arith.constant 0 : i32
    %dma_start3A_308 = tpu.memref_slice %arg6[%dma_start3A_290, %dma_start3A_306, %dma_start3A_307] : memref<8x50x128xf32, #tpu.memory_space<vmem>> -> memref<1x50x128xf32, #tpu.memory_space<vmem>>
    %dma_start3A_309 = tpu.memref_squeeze %dma_start3A_308 : memref<1x50x128xf32, #tpu.memory_space<vmem>> -> memref<50x128xf32, #tpu.memory_space<vmem>>
    tpu.enqueue_dma source(%dma_start3A_309 : memref<50x128xf32, #tpu.memory_space<vmem>>) target(%dma_start3A_305 : memref<50x128xf32, #tpu.memory_space<hbm>>) target_semaphore(%dma_start3A_301 : memref<!tpu.dma_semaphore, #tpu.memory_space<semaphore_mem>>)
    %dma_wait3A_310 = arith.constant 509 : i32
    %dma_wait3A_311 = arith.constant 5 : i32
    %dma_wait3A_312 = arith.constant 5 : i32
    %dma_wait3A_313 = arith.constant 0 : i32
    %dma_wait3A_314 = arith.constant 0 : i32
    %dma_wait3A_315 = tpu.memref_slice %arg6[%dma_wait3A_311, %dma_wait3A_313, %dma_wait3A_314] : memref<8x50x128xf32, #tpu.memory_space<vmem>> -> memref<1x50x128xf32, #tpu.memory_space<vmem>>
    %dma_wait3A_316 = tpu.memref_squeeze %dma_wait3A_315 : memref<1x50x128xf32, #tpu.memory_space<vmem>> -> memref<50x128xf32, #tpu.memory_space<vmem>>
    %dma_wait3A_317 = arith.constant 0 : i32
    %dma_wait3A_318 = tpu.memref_slice %arg5[%dma_wait3A_310, %dma_wait3A_317] : memref<512x50xi32, #tpu.memory_space<vmem>> -> memref<1x50xi32, #tpu.memory_space<vmem>>
    %dma_wait3A_319 = tpu.memref_squeeze %dma_wait3A_318 : memref<1x50xi32, #tpu.memory_space<vmem>> -> memref<50xi32, #tpu.memory_space<vmem>>
    %dma_wait3A_320 = arith.constant 0 : i32
    %dma_wait3A_321 = arith.constant 0 : i32
    %dma_wait3A_322 = tpu.memref_slice %arg3[%dma_wait3A_320, %dma_wait3A_321] : memref<1000000x128xf32, #tpu.memory_space<hbm>> -> memref<1000000x128xf32, #tpu.memory_space<hbm>>
    %dma_wait3A_323 = tpu.memref_slice %arg7[%dma_wait3A_312] : memref<8x!tpu.dma_semaphore, #tpu.memory_space<semaphore_mem>> -> memref<1x!tpu.dma_semaphore, #tpu.memory_space<semaphore_mem>>
    %dma_wait3A_324 = tpu.memref_squeeze %dma_wait3A_323 : memref<1x!tpu.dma_semaphore, #tpu.memory_space<semaphore_mem>> -> memref<!tpu.dma_semaphore, #tpu.memory_space<semaphore_mem>>
    tpu.wait_indirect_dma semaphore(%dma_wait3A_324 : memref<!tpu.dma_semaphore, #tpu.memory_space<semaphore_mem>>) src(%dma_wait3A_322 : memref<1000000x128xf32, #tpu.memory_space<hbm>>) dst(%dma_wait3A_316 : memref<50x128xf32, #tpu.memory_space<vmem>>)
    %add3A_325 = arith.constant 509 : i32
    %add3A_326 = arith.addi %mul3A_2, %add3A_325 : i32
    %dma_start3A_327 = arith.constant 5 : i32
    %dma_start3A_328 = arith.constant 5 : i32
    %dma_start3A_329 = arith.constant 0 : i32
    %dma_start3A_330 = arith.constant 0 : i32
    %dma_start3A_331 = tpu.memref_slice %arg6[%dma_start3A_327, %dma_start3A_329, %dma_start3A_330] : memref<8x50x128xf32, #tpu.memory_space<vmem>> -> memref<1x50x128xf32, #tpu.memory_space<vmem>>
    %dma_start3A_332 = tpu.memref_squeeze %dma_start3A_331 : memref<1x50x128xf32, #tpu.memory_space<vmem>> -> memref<50x128xf32, #tpu.memory_space<vmem>>
    %dma_start3A_333 = arith.constant 0 : i32
    %dma_start3A_334 = arith.constant 0 : i32
    %dma_start3A_335 = tpu.memref_slice %arg4[%add3A_326, %dma_start3A_333, %dma_start3A_334] : memref<16384x50x128xf32, #tpu.memory_space<hbm>> -> memref<1x50x128xf32, #tpu.memory_space<hbm>>
    %dma_start3A_336 = tpu.memref_squeeze %dma_start3A_335 : memref<1x50x128xf32, #tpu.memory_space<hbm>> -> memref<50x128xf32, #tpu.memory_space<hbm>>
    %dma_start3A_337 = tpu.memref_slice %arg8[%dma_start3A_328] : memref<8x!tpu.dma_semaphore, #tpu.memory_space<semaphore_mem>> -> memref<1x!tpu.dma_semaphore, #tpu.memory_space<semaphore_mem>>
    %dma_start3A_338 = tpu.memref_squeeze %dma_start3A_337 : memref<1x!tpu.dma_semaphore, #tpu.memory_space<semaphore_mem>> -> memref<!tpu.dma_semaphore, #tpu.memory_space<semaphore_mem>>
    %dma_start3A_339 = arith.constant 0 : i32
    %dma_start3A_340 = arith.constant 0 : i32
    %dma_start3A_341 = tpu.memref_slice %arg4[%add3A_326, %dma_start3A_339, %dma_start3A_340] : memref<16384x50x128xf32, #tpu.memory_space<hbm>> -> memref<1x50x128xf32, #tpu.memory_space<hbm>>
    %dma_start3A_342 = tpu.memref_squeeze %dma_start3A_341 : memref<1x50x128xf32, #tpu.memory_space<hbm>> -> memref<50x128xf32, #tpu.memory_space<hbm>>
    %dma_start3A_343 = arith.constant 0 : i32
    %dma_start3A_344 = arith.constant 0 : i32
    %dma_start3A_345 = tpu.memref_slice %arg6[%dma_start3A_327, %dma_start3A_343, %dma_start3A_344] : memref<8x50x128xf32, #tpu.memory_space<vmem>> -> memref<1x50x128xf32, #tpu.memory_space<vmem>>
    %dma_start3A_346 = tpu.memref_squeeze %dma_start3A_345 : memref<1x50x128xf32, #tpu.memory_space<vmem>> -> memref<50x128xf32, #tpu.memory_space<vmem>>
    tpu.enqueue_dma source(%dma_start3A_346 : memref<50x128xf32, #tpu.memory_space<vmem>>) target(%dma_start3A_342 : memref<50x128xf32, #tpu.memory_space<hbm>>) target_semaphore(%dma_start3A_338 : memref<!tpu.dma_semaphore, #tpu.memory_space<semaphore_mem>>)
    %dma_wait3A_347 = arith.constant 510 : i32
    %dma_wait3A_348 = arith.constant 6 : i32
    %dma_wait3A_349 = arith.constant 6 : i32
    %dma_wait3A_350 = arith.constant 0 : i32
    %dma_wait3A_351 = arith.constant 0 : i32
    %dma_wait3A_352 = tpu.memref_slice %arg6[%dma_wait3A_348, %dma_wait3A_350, %dma_wait3A_351] : memref<8x50x128xf32, #tpu.memory_space<vmem>> -> memref<1x50x128xf32, #tpu.memory_space<vmem>>
    %dma_wait3A_353 = tpu.memref_squeeze %dma_wait3A_352 : memref<1x50x128xf32, #tpu.memory_space<vmem>> -> memref<50x128xf32, #tpu.memory_space<vmem>>
    %dma_wait3A_354 = arith.constant 0 : i32
    %dma_wait3A_355 = tpu.memref_slice %arg5[%dma_wait3A_347, %dma_wait3A_354] : memref<512x50xi32, #tpu.memory_space<vmem>> -> memref<1x50xi32, #tpu.memory_space<vmem>>
    %dma_wait3A_356 = tpu.memref_squeeze %dma_wait3A_355 : memref<1x50xi32, #tpu.memory_space<vmem>> -> memref<50xi32, #tpu.memory_space<vmem>>
    %dma_wait3A_357 = arith.constant 0 : i32
    %dma_wait3A_358 = arith.constant 0 : i32
    %dma_wait3A_359 = tpu.memref_slice %arg3[%dma_wait3A_357, %dma_wait3A_358] : memref<1000000x128xf32, #tpu.memory_space<hbm>> -> memref<1000000x128xf32, #tpu.memory_space<hbm>>
    %dma_wait3A_360 = tpu.memref_slice %arg7[%dma_wait3A_349] : memref<8x!tpu.dma_semaphore, #tpu.memory_space<semaphore_mem>> -> memref<1x!tpu.dma_semaphore, #tpu.memory_space<semaphore_mem>>
    %dma_wait3A_361 = tpu.memref_squeeze %dma_wait3A_360 : memref<1x!tpu.dma_semaphore, #tpu.memory_space<semaphore_mem>> -> memref<!tpu.dma_semaphore, #tpu.memory_space<semaphore_mem>>
    tpu.wait_indirect_dma semaphore(%dma_wait3A_361 : memref<!tpu.dma_semaphore, #tpu.memory_space<semaphore_mem>>) src(%dma_wait3A_359 : memref<1000000x128xf32, #tpu.memory_space<hbm>>) dst(%dma_wait3A_353 : memref<50x128xf32, #tpu.memory_space<vmem>>)
    %add3A_362 = arith.constant 510 : i32
    %add3A_363 = arith.addi %mul3A_2, %add3A_362 : i32
    %dma_start3A_364 = arith.constant 6 : i32
    %dma_start3A_365 = arith.constant 6 : i32
    %dma_start3A_366 = arith.constant 0 : i32
    %dma_start3A_367 = arith.constant 0 : i32
    %dma_start3A_368 = tpu.memref_slice %arg6[%dma_start3A_364, %dma_start3A_366, %dma_start3A_367] : memref<8x50x128xf32, #tpu.memory_space<vmem>> -> memref<1x50x128xf32, #tpu.memory_space<vmem>>
    %dma_start3A_369 = tpu.memref_squeeze %dma_start3A_368 : memref<1x50x128xf32, #tpu.memory_space<vmem>> -> memref<50x128xf32, #tpu.memory_space<vmem>>
    %dma_start3A_370 = arith.constant 0 : i32
    %dma_start3A_371 = arith.constant 0 : i32
    %dma_start3A_372 = tpu.memref_slice %arg4[%add3A_363, %dma_start3A_370, %dma_start3A_371] : memref<16384x50x128xf32, #tpu.memory_space<hbm>> -> memref<1x50x128xf32, #tpu.memory_space<hbm>>
    %dma_start3A_373 = tpu.memref_squeeze %dma_start3A_372 : memref<1x50x128xf32, #tpu.memory_space<hbm>> -> memref<50x128xf32, #tpu.memory_space<hbm>>
    %dma_start3A_374 = tpu.memref_slice %arg8[%dma_start3A_365] : memref<8x!tpu.dma_semaphore, #tpu.memory_space<semaphore_mem>> -> memref<1x!tpu.dma_semaphore, #tpu.memory_space<semaphore_mem>>
    %dma_start3A_375 = tpu.memref_squeeze %dma_start3A_374 : memref<1x!tpu.dma_semaphore, #tpu.memory_space<semaphore_mem>> -> memref<!tpu.dma_semaphore, #tpu.memory_space<semaphore_mem>>
    %dma_start3A_376 = arith.constant 0 : i32
    %dma_start3A_377 = arith.constant 0 : i32
    %dma_start3A_378 = tpu.memref_slice %arg4[%add3A_363, %dma_start3A_376, %dma_start3A_377] : memref<16384x50x128xf32, #tpu.memory_space<hbm>> -> memref<1x50x128xf32, #tpu.memory_space<hbm>>
    %dma_start3A_379 = tpu.memref_squeeze %dma_start3A_378 : memref<1x50x128xf32, #tpu.memory_space<hbm>> -> memref<50x128xf32, #tpu.memory_space<hbm>>
    %dma_start3A_380 = arith.constant 0 : i32
    %dma_start3A_381 = arith.constant 0 : i32
    %dma_start3A_382 = tpu.memref_slice %arg6[%dma_start3A_364, %dma_start3A_380, %dma_start3A_381] : memref<8x50x128xf32, #tpu.memory_space<vmem>> -> memref<1x50x128xf32, #tpu.memory_space<vmem>>
    %dma_start3A_383 = tpu.memref_squeeze %dma_start3A_382 : memref<1x50x128xf32, #tpu.memory_space<vmem>> -> memref<50x128xf32, #tpu.memory_space<vmem>>
    tpu.enqueue_dma source(%dma_start3A_383 : memref<50x128xf32, #tpu.memory_space<vmem>>) target(%dma_start3A_379 : memref<50x128xf32, #tpu.memory_space<hbm>>) target_semaphore(%dma_start3A_375 : memref<!tpu.dma_semaphore, #tpu.memory_space<semaphore_mem>>)
    %dma_wait3A_384 = arith.constant 511 : i32
    %dma_wait3A_385 = arith.constant 7 : i32
    %dma_wait3A_386 = arith.constant 7 : i32
    %dma_wait3A_387 = arith.constant 0 : i32
    %dma_wait3A_388 = arith.constant 0 : i32
    %dma_wait3A_389 = tpu.memref_slice %arg6[%dma_wait3A_385, %dma_wait3A_387, %dma_wait3A_388] : memref<8x50x128xf32, #tpu.memory_space<vmem>> -> memref<1x50x128xf32, #tpu.memory_space<vmem>>
    %dma_wait3A_390 = tpu.memref_squeeze %dma_wait3A_389 : memref<1x50x128xf32, #tpu.memory_space<vmem>> -> memref<50x128xf32, #tpu.memory_space<vmem>>
    %dma_wait3A_391 = arith.constant 0 : i32
    %dma_wait3A_392 = tpu.memref_slice %arg5[%dma_wait3A_384, %dma_wait3A_391] : memref<512x50xi32, #tpu.memory_space<vmem>> -> memref<1x50xi32, #tpu.memory_space<vmem>>
    %dma_wait3A_393 = tpu.memref_squeeze %dma_wait3A_392 : memref<1x50xi32, #tpu.memory_space<vmem>> -> memref<50xi32, #tpu.memory_space<vmem>>
    %dma_wait3A_394 = arith.constant 0 : i32
    %dma_wait3A_395 = arith.constant 0 : i32
    %dma_wait3A_396 = tpu.memref_slice %arg3[%dma_wait3A_394, %dma_wait3A_395] : memref<1000000x128xf32, #tpu.memory_space<hbm>> -> memref<1000000x128xf32, #tpu.memory_space<hbm>>
    %dma_wait3A_397 = tpu.memref_slice %arg7[%dma_wait3A_386] : memref<8x!tpu.dma_semaphore, #tpu.memory_space<semaphore_mem>> -> memref<1x!tpu.dma_semaphore, #tpu.memory_space<semaphore_mem>>
    %dma_wait3A_398 = tpu.memref_squeeze %dma_wait3A_397 : memref<1x!tpu.dma_semaphore, #tpu.memory_space<semaphore_mem>> -> memref<!tpu.dma_semaphore, #tpu.memory_space<semaphore_mem>>
    tpu.wait_indirect_dma semaphore(%dma_wait3A_398 : memref<!tpu.dma_semaphore, #tpu.memory_space<semaphore_mem>>) src(%dma_wait3A_396 : memref<1000000x128xf32, #tpu.memory_space<hbm>>) dst(%dma_wait3A_390 : memref<50x128xf32, #tpu.memory_space<vmem>>)
    %add3A_399 = arith.constant 511 : i32
    %add3A_400 = arith.addi %mul3A_2, %add3A_399 : i32
    %dma_start3A_401 = arith.constant 7 : i32
    %dma_start3A_402 = arith.constant 7 : i32
    %dma_start3A_403 = arith.constant 0 : i32
    %dma_start3A_404 = arith.constant 0 : i32
    %dma_start3A_405 = tpu.memref_slice %arg6[%dma_start3A_401, %dma_start3A_403, %dma_start3A_404] : memref<8x50x128xf32, #tpu.memory_space<vmem>> -> memref<1x50x128xf32, #tpu.memory_space<vmem>>
    %dma_start3A_406 = tpu.memref_squeeze %dma_start3A_405 : memref<1x50x128xf32, #tpu.memory_space<vmem>> -> memref<50x128xf32, #tpu.memory_space<vmem>>
    %dma_start3A_407 = arith.constant 0 : i32
    %dma_start3A_408 = arith.constant 0 : i32
    %dma_start3A_409 = tpu.memref_slice %arg4[%add3A_400, %dma_start3A_407, %dma_start3A_408] : memref<16384x50x128xf32, #tpu.memory_space<hbm>> -> memref<1x50x128xf32, #tpu.memory_space<hbm>>
    %dma_start3A_410 = tpu.memref_squeeze %dma_start3A_409 : memref<1x50x128xf32, #tpu.memory_space<hbm>> -> memref<50x128xf32, #tpu.memory_space<hbm>>
    %dma_start3A_411 = tpu.memref_slice %arg8[%dma_start3A_402] : memref<8x!tpu.dma_semaphore, #tpu.memory_space<semaphore_mem>> -> memref<1x!tpu.dma_semaphore, #tpu.memory_space<semaphore_mem>>
    %dma_start3A_412 = tpu.memref_squeeze %dma_start3A_411 : memref<1x!tpu.dma_semaphore, #tpu.memory_space<semaphore_mem>> -> memref<!tpu.dma_semaphore, #tpu.memory_space<semaphore_mem>>
    %dma_start3A_413 = arith.constant 0 : i32
    %dma_start3A_414 = arith.constant 0 : i32
    %dma_start3A_415 = tpu.memref_slice %arg4[%add3A_400, %dma_start3A_413, %dma_start3A_414] : memref<16384x50x128xf32, #tpu.memory_space<hbm>> -> memref<1x50x128xf32, #tpu.memory_space<hbm>>
    %dma_start3A_416 = tpu.memref_squeeze %dma_start3A_415 : memref<1x50x128xf32, #tpu.memory_space<hbm>> -> memref<50x128xf32, #tpu.memory_space<hbm>>
    %dma_start3A_417 = arith.constant 0 : i32
    %dma_start3A_418 = arith.constant 0 : i32
    %dma_start3A_419 = tpu.memref_slice %arg6[%dma_start3A_401, %dma_start3A_417, %dma_start3A_418] : memref<8x50x128xf32, #tpu.memory_space<vmem>> -> memref<1x50x128xf32, #tpu.memory_space<vmem>>
    %dma_start3A_420 = tpu.memref_squeeze %dma_start3A_419 : memref<1x50x128xf32, #tpu.memory_space<vmem>> -> memref<50x128xf32, #tpu.memory_space<vmem>>
    tpu.enqueue_dma source(%dma_start3A_420 : memref<50x128xf32, #tpu.memory_space<vmem>>) target(%dma_start3A_416 : memref<50x128xf32, #tpu.memory_space<hbm>>) target_semaphore(%dma_start3A_412 : memref<!tpu.dma_semaphore, #tpu.memory_space<semaphore_mem>>)
    %add3A_421 = arith.constant 504 : i32
    %add3A_422 = arith.addi %mul3A_2, %add3A_421 : i32
    %dma_wait3A_423 = arith.constant 0 : i32
    %dma_wait3A_424 = arith.constant 0 : i32
    %dma_wait3A_425 = arith.constant 0 : i32
    %dma_wait3A_426 = arith.constant 0 : i32
    %dma_wait3A_427 = tpu.memref_slice %arg6[%dma_wait3A_423, %dma_wait3A_425, %dma_wait3A_426] : memref<8x50x128xf32, #tpu.memory_space<vmem>> -> memref<1x50x128xf32, #tpu.memory_space<vmem>>
    %dma_wait3A_428 = tpu.memref_squeeze %dma_wait3A_427 : memref<1x50x128xf32, #tpu.memory_space<vmem>> -> memref<50x128xf32, #tpu.memory_space<vmem>>
    %dma_wait3A_429 = arith.constant 0 : i32
    %dma_wait3A_430 = arith.constant 0 : i32
    %dma_wait3A_431 = tpu.memref_slice %arg4[%add3A_422, %dma_wait3A_429, %dma_wait3A_430] : memref<16384x50x128xf32, #tpu.memory_space<hbm>> -> memref<1x50x128xf32, #tpu.memory_space<hbm>>
    %dma_wait3A_432 = tpu.memref_squeeze %dma_wait3A_431 : memref<1x50x128xf32, #tpu.memory_space<hbm>> -> memref<50x128xf32, #tpu.memory_space<hbm>>
    %dma_wait3A_433 = tpu.memref_slice %arg8[%dma_wait3A_424] : memref<8x!tpu.dma_semaphore, #tpu.memory_space<semaphore_mem>> -> memref<1x!tpu.dma_semaphore, #tpu.memory_space<semaphore_mem>>
    %dma_wait3A_434 = tpu.memref_squeeze %dma_wait3A_433 : memref<1x!tpu.dma_semaphore, #tpu.memory_space<semaphore_mem>> -> memref<!tpu.dma_semaphore, #tpu.memory_space<semaphore_mem>>
    %dma_wait3A_435 = arith.constant 0 : i32
    %dma_wait3A_436 = arith.constant 0 : i32
    %dma_wait3A_437 = tpu.memref_slice %arg4[%add3A_422, %dma_wait3A_435, %dma_wait3A_436] : memref<16384x50x128xf32, #tpu.memory_space<hbm>> -> memref<1x50x128xf32, #tpu.memory_space<hbm>>
    %dma_wait3A_438 = tpu.memref_squeeze %dma_wait3A_437 : memref<1x50x128xf32, #tpu.memory_space<hbm>> -> memref<50x128xf32, #tpu.memory_space<hbm>>
    %dma_wait3A_439 = arith.constant 0 : i32
    %dma_wait3A_440 = arith.constant 0 : i32
    %dma_wait3A_441 = tpu.memref_slice %arg6[%dma_wait3A_423, %dma_wait3A_439, %dma_wait3A_440] : memref<8x50x128xf32, #tpu.memory_space<vmem>> -> memref<1x50x128xf32, #tpu.memory_space<vmem>>
    %dma_wait3A_442 = tpu.memref_squeeze %dma_wait3A_441 : memref<1x50x128xf32, #tpu.memory_space<vmem>> -> memref<50x128xf32, #tpu.memory_space<vmem>>
    tpu.wait_dma2 semaphore(%dma_wait3A_434 : memref<!tpu.dma_semaphore, #tpu.memory_space<semaphore_mem>>) src(%dma_wait3A_442 : memref<50x128xf32, #tpu.memory_space<vmem>>) dst(%dma_wait3A_438 : memref<50x128xf32, #tpu.memory_space<hbm>>)
    %add3A_443 = arith.constant 505 : i32
    %add3A_444 = arith.addi %mul3A_2, %add3A_443 : i32
    %dma_wait3A_445 = arith.constant 1 : i32
    %dma_wait3A_446 = arith.constant 1 : i32
    %dma_wait3A_447 = arith.constant 0 : i32
    %dma_wait3A_448 = arith.constant 0 : i32
    %dma_wait3A_449 = tpu.memref_slice %arg6[%dma_wait3A_445, %dma_wait3A_447, %dma_wait3A_448] : memref<8x50x128xf32, #tpu.memory_space<vmem>> -> memref<1x50x128xf32, #tpu.memory_space<vmem>>
    %dma_wait3A_450 = tpu.memref_squeeze %dma_wait3A_449 : memref<1x50x128xf32, #tpu.memory_space<vmem>> -> memref<50x128xf32, #tpu.memory_space<vmem>>
    %dma_wait3A_451 = arith.constant 0 : i32
    %dma_wait3A_452 = arith.constant 0 : i32
    %dma_wait3A_453 = tpu.memref_slice %arg4[%add3A_444, %dma_wait3A_451, %dma_wait3A_452] : memref<16384x50x128xf32, #tpu.memory_space<hbm>> -> memref<1x50x128xf32, #tpu.memory_space<hbm>>
    %dma_wait3A_454 = tpu.memref_squeeze %dma_wait3A_453 : memref<1x50x128xf32, #tpu.memory_space<hbm>> -> memref<50x128xf32, #tpu.memory_space<hbm>>
    %dma_wait3A_455 = tpu.memref_slice %arg8[%dma_wait3A_446] : memref<8x!tpu.dma_semaphore, #tpu.memory_space<semaphore_mem>> -> memref<1x!tpu.dma_semaphore, #tpu.memory_space<semaphore_mem>>
    %dma_wait3A_456 = tpu.memref_squeeze %dma_wait3A_455 : memref<1x!tpu.dma_semaphore, #tpu.memory_space<semaphore_mem>> -> memref<!tpu.dma_semaphore, #tpu.memory_space<semaphore_mem>>
    %dma_wait3A_457 = arith.constant 0 : i32
    %dma_wait3A_458 = arith.constant 0 : i32
    %dma_wait3A_459 = tpu.memref_slice %arg4[%add3A_444, %dma_wait3A_457, %dma_wait3A_458] : memref<16384x50x128xf32, #tpu.memory_space<hbm>> -> memref<1x50x128xf32, #tpu.memory_space<hbm>>
    %dma_wait3A_460 = tpu.memref_squeeze %dma_wait3A_459 : memref<1x50x128xf32, #tpu.memory_space<hbm>> -> memref<50x128xf32, #tpu.memory_space<hbm>>
    %dma_wait3A_461 = arith.constant 0 : i32
    %dma_wait3A_462 = arith.constant 0 : i32
    %dma_wait3A_463 = tpu.memref_slice %arg6[%dma_wait3A_445, %dma_wait3A_461, %dma_wait3A_462] : memref<8x50x128xf32, #tpu.memory_space<vmem>> -> memref<1x50x128xf32, #tpu.memory_space<vmem>>
    %dma_wait3A_464 = tpu.memref_squeeze %dma_wait3A_463 : memref<1x50x128xf32, #tpu.memory_space<vmem>> -> memref<50x128xf32, #tpu.memory_space<vmem>>
    tpu.wait_dma2 semaphore(%dma_wait3A_456 : memref<!tpu.dma_semaphore, #tpu.memory_space<semaphore_mem>>) src(%dma_wait3A_464 : memref<50x128xf32, #tpu.memory_space<vmem>>) dst(%dma_wait3A_460 : memref<50x128xf32, #tpu.memory_space<hbm>>)
    %add3A_465 = arith.constant 506 : i32
    %add3A_466 = arith.addi %mul3A_2, %add3A_465 : i32
    %dma_wait3A_467 = arith.constant 2 : i32
    %dma_wait3A_468 = arith.constant 2 : i32
    %dma_wait3A_469 = arith.constant 0 : i32
    %dma_wait3A_470 = arith.constant 0 : i32
    %dma_wait3A_471 = tpu.memref_slice %arg6[%dma_wait3A_467, %dma_wait3A_469, %dma_wait3A_470] : memref<8x50x128xf32, #tpu.memory_space<vmem>> -> memref<1x50x128xf32, #tpu.memory_space<vmem>>
    %dma_wait3A_472 = tpu.memref_squeeze %dma_wait3A_471 : memref<1x50x128xf32, #tpu.memory_space<vmem>> -> memref<50x128xf32, #tpu.memory_space<vmem>>
    %dma_wait3A_473 = arith.constant 0 : i32
    %dma_wait3A_474 = arith.constant 0 : i32
    %dma_wait3A_475 = tpu.memref_slice %arg4[%add3A_466, %dma_wait3A_473, %dma_wait3A_474] : memref<16384x50x128xf32, #tpu.memory_space<hbm>> -> memref<1x50x128xf32, #tpu.memory_space<hbm>>
    %dma_wait3A_476 = tpu.memref_squeeze %dma_wait3A_475 : memref<1x50x128xf32, #tpu.memory_space<hbm>> -> memref<50x128xf32, #tpu.memory_space<hbm>>
    %dma_wait3A_477 = tpu.memref_slice %arg8[%dma_wait3A_468] : memref<8x!tpu.dma_semaphore, #tpu.memory_space<semaphore_mem>> -> memref<1x!tpu.dma_semaphore, #tpu.memory_space<semaphore_mem>>
    %dma_wait3A_478 = tpu.memref_squeeze %dma_wait3A_477 : memref<1x!tpu.dma_semaphore, #tpu.memory_space<semaphore_mem>> -> memref<!tpu.dma_semaphore, #tpu.memory_space<semaphore_mem>>
    %dma_wait3A_479 = arith.constant 0 : i32
    %dma_wait3A_480 = arith.constant 0 : i32
    %dma_wait3A_481 = tpu.memref_slice %arg4[%add3A_466, %dma_wait3A_479, %dma_wait3A_480] : memref<16384x50x128xf32, #tpu.memory_space<hbm>> -> memref<1x50x128xf32, #tpu.memory_space<hbm>>
    %dma_wait3A_482 = tpu.memref_squeeze %dma_wait3A_481 : memref<1x50x128xf32, #tpu.memory_space<hbm>> -> memref<50x128xf32, #tpu.memory_space<hbm>>
    %dma_wait3A_483 = arith.constant 0 : i32
    %dma_wait3A_484 = arith.constant 0 : i32
    %dma_wait3A_485 = tpu.memref_slice %arg6[%dma_wait3A_467, %dma_wait3A_483, %dma_wait3A_484] : memref<8x50x128xf32, #tpu.memory_space<vmem>> -> memref<1x50x128xf32, #tpu.memory_space<vmem>>
    %dma_wait3A_486 = tpu.memref_squeeze %dma_wait3A_485 : memref<1x50x128xf32, #tpu.memory_space<vmem>> -> memref<50x128xf32, #tpu.memory_space<vmem>>
    tpu.wait_dma2 semaphore(%dma_wait3A_478 : memref<!tpu.dma_semaphore, #tpu.memory_space<semaphore_mem>>) src(%dma_wait3A_486 : memref<50x128xf32, #tpu.memory_space<vmem>>) dst(%dma_wait3A_482 : memref<50x128xf32, #tpu.memory_space<hbm>>)
    %add3A_487 = arith.constant 507 : i32
    %add3A_488 = arith.addi %mul3A_2, %add3A_487 : i32
    %dma_wait3A_489 = arith.constant 3 : i32
    %dma_wait3A_490 = arith.constant 3 : i32
    %dma_wait3A_491 = arith.constant 0 : i32
    %dma_wait3A_492 = arith.constant 0 : i32
    %dma_wait3A_493 = tpu.memref_slice %arg6[%dma_wait3A_489, %dma_wait3A_491, %dma_wait3A_492] : memref<8x50x128xf32, #tpu.memory_space<vmem>> -> memref<1x50x128xf32, #tpu.memory_space<vmem>>
    %dma_wait3A_494 = tpu.memref_squeeze %dma_wait3A_493 : memref<1x50x128xf32, #tpu.memory_space<vmem>> -> memref<50x128xf32, #tpu.memory_space<vmem>>
    %dma_wait3A_495 = arith.constant 0 : i32
    %dma_wait3A_496 = arith.constant 0 : i32
    %dma_wait3A_497 = tpu.memref_slice %arg4[%add3A_488, %dma_wait3A_495, %dma_wait3A_496] : memref<16384x50x128xf32, #tpu.memory_space<hbm>> -> memref<1x50x128xf32, #tpu.memory_space<hbm>>
    %dma_wait3A_498 = tpu.memref_squeeze %dma_wait3A_497 : memref<1x50x128xf32, #tpu.memory_space<hbm>> -> memref<50x128xf32, #tpu.memory_space<hbm>>
    %dma_wait3A_499 = tpu.memref_slice %arg8[%dma_wait3A_490] : memref<8x!tpu.dma_semaphore, #tpu.memory_space<semaphore_mem>> -> memref<1x!tpu.dma_semaphore, #tpu.memory_space<semaphore_mem>>
    %dma_wait3A_500 = tpu.memref_squeeze %dma_wait3A_499 : memref<1x!tpu.dma_semaphore, #tpu.memory_space<semaphore_mem>> -> memref<!tpu.dma_semaphore, #tpu.memory_space<semaphore_mem>>
    %dma_wait3A_501 = arith.constant 0 : i32
    %dma_wait3A_502 = arith.constant 0 : i32
    %dma_wait3A_503 = tpu.memref_slice %arg4[%add3A_488, %dma_wait3A_501, %dma_wait3A_502] : memref<16384x50x128xf32, #tpu.memory_space<hbm>> -> memref<1x50x128xf32, #tpu.memory_space<hbm>>
    %dma_wait3A_504 = tpu.memref_squeeze %dma_wait3A_503 : memref<1x50x128xf32, #tpu.memory_space<hbm>> -> memref<50x128xf32, #tpu.memory_space<hbm>>
    %dma_wait3A_505 = arith.constant 0 : i32
    %dma_wait3A_506 = arith.constant 0 : i32
    %dma_wait3A_507 = tpu.memref_slice %arg6[%dma_wait3A_489, %dma_wait3A_505, %dma_wait3A_506] : memref<8x50x128xf32, #tpu.memory_space<vmem>> -> memref<1x50x128xf32, #tpu.memory_space<vmem>>
    %dma_wait3A_508 = tpu.memref_squeeze %dma_wait3A_507 : memref<1x50x128xf32, #tpu.memory_space<vmem>> -> memref<50x128xf32, #tpu.memory_space<vmem>>
    tpu.wait_dma2 semaphore(%dma_wait3A_500 : memref<!tpu.dma_semaphore, #tpu.memory_space<semaphore_mem>>) src(%dma_wait3A_508 : memref<50x128xf32, #tpu.memory_space<vmem>>) dst(%dma_wait3A_504 : memref<50x128xf32, #tpu.memory_space<hbm>>)
    %add3A_509 = arith.constant 508 : i32
    %add3A_510 = arith.addi %mul3A_2, %add3A_509 : i32
    %dma_wait3A_511 = arith.constant 4 : i32
    %dma_wait3A_512 = arith.constant 4 : i32
    %dma_wait3A_513 = arith.constant 0 : i32
    %dma_wait3A_514 = arith.constant 0 : i32
    %dma_wait3A_515 = tpu.memref_slice %arg6[%dma_wait3A_511, %dma_wait3A_513, %dma_wait3A_514] : memref<8x50x128xf32, #tpu.memory_space<vmem>> -> memref<1x50x128xf32, #tpu.memory_space<vmem>>
    %dma_wait3A_516 = tpu.memref_squeeze %dma_wait3A_515 : memref<1x50x128xf32, #tpu.memory_space<vmem>> -> memref<50x128xf32, #tpu.memory_space<vmem>>
    %dma_wait3A_517 = arith.constant 0 : i32
    %dma_wait3A_518 = arith.constant 0 : i32
    %dma_wait3A_519 = tpu.memref_slice %arg4[%add3A_510, %dma_wait3A_517, %dma_wait3A_518] : memref<16384x50x128xf32, #tpu.memory_space<hbm>> -> memref<1x50x128xf32, #tpu.memory_space<hbm>>
    %dma_wait3A_520 = tpu.memref_squeeze %dma_wait3A_519 : memref<1x50x128xf32, #tpu.memory_space<hbm>> -> memref<50x128xf32, #tpu.memory_space<hbm>>
    %dma_wait3A_521 = tpu.memref_slice %arg8[%dma_wait3A_512] : memref<8x!tpu.dma_semaphore, #tpu.memory_space<semaphore_mem>> -> memref<1x!tpu.dma_semaphore, #tpu.memory_space<semaphore_mem>>
    %dma_wait3A_522 = tpu.memref_squeeze %dma_wait3A_521 : memref<1x!tpu.dma_semaphore, #tpu.memory_space<semaphore_mem>> -> memref<!tpu.dma_semaphore, #tpu.memory_space<semaphore_mem>>
    %dma_wait3A_523 = arith.constant 0 : i32
    %dma_wait3A_524 = arith.constant 0 : i32
    %dma_wait3A_525 = tpu.memref_slice %arg4[%add3A_510, %dma_wait3A_523, %dma_wait3A_524] : memref<16384x50x128xf32, #tpu.memory_space<hbm>> -> memref<1x50x128xf32, #tpu.memory_space<hbm>>
    %dma_wait3A_526 = tpu.memref_squeeze %dma_wait3A_525 : memref<1x50x128xf32, #tpu.memory_space<hbm>> -> memref<50x128xf32, #tpu.memory_space<hbm>>
    %dma_wait3A_527 = arith.constant 0 : i32
    %dma_wait3A_528 = arith.constant 0 : i32
    %dma_wait3A_529 = tpu.memref_slice %arg6[%dma_wait3A_511, %dma_wait3A_527, %dma_wait3A_528] : memref<8x50x128xf32, #tpu.memory_space<vmem>> -> memref<1x50x128xf32, #tpu.memory_space<vmem>>
    %dma_wait3A_530 = tpu.memref_squeeze %dma_wait3A_529 : memref<1x50x128xf32, #tpu.memory_space<vmem>> -> memref<50x128xf32, #tpu.memory_space<vmem>>
    tpu.wait_dma2 semaphore(%dma_wait3A_522 : memref<!tpu.dma_semaphore, #tpu.memory_space<semaphore_mem>>) src(%dma_wait3A_530 : memref<50x128xf32, #tpu.memory_space<vmem>>) dst(%dma_wait3A_526 : memref<50x128xf32, #tpu.memory_space<hbm>>)
    %add3A_531 = arith.constant 509 : i32
    %add3A_532 = arith.addi %mul3A_2, %add3A_531 : i32
    %dma_wait3A_533 = arith.constant 5 : i32
    %dma_wait3A_534 = arith.constant 5 : i32
    %dma_wait3A_535 = arith.constant 0 : i32
    %dma_wait3A_536 = arith.constant 0 : i32
    %dma_wait3A_537 = tpu.memref_slice %arg6[%dma_wait3A_533, %dma_wait3A_535, %dma_wait3A_536] : memref<8x50x128xf32, #tpu.memory_space<vmem>> -> memref<1x50x128xf32, #tpu.memory_space<vmem>>
    %dma_wait3A_538 = tpu.memref_squeeze %dma_wait3A_537 : memref<1x50x128xf32, #tpu.memory_space<vmem>> -> memref<50x128xf32, #tpu.memory_space<vmem>>
    %dma_wait3A_539 = arith.constant 0 : i32
    %dma_wait3A_540 = arith.constant 0 : i32
    %dma_wait3A_541 = tpu.memref_slice %arg4[%add3A_532, %dma_wait3A_539, %dma_wait3A_540] : memref<16384x50x128xf32, #tpu.memory_space<hbm>> -> memref<1x50x128xf32, #tpu.memory_space<hbm>>
    %dma_wait3A_542 = tpu.memref_squeeze %dma_wait3A_541 : memref<1x50x128xf32, #tpu.memory_space<hbm>> -> memref<50x128xf32, #tpu.memory_space<hbm>>
    %dma_wait3A_543 = tpu.memref_slice %arg8[%dma_wait3A_534] : memref<8x!tpu.dma_semaphore, #tpu.memory_space<semaphore_mem>> -> memref<1x!tpu.dma_semaphore, #tpu.memory_space<semaphore_mem>>
    %dma_wait3A_544 = tpu.memref_squeeze %dma_wait3A_543 : memref<1x!tpu.dma_semaphore, #tpu.memory_space<semaphore_mem>> -> memref<!tpu.dma_semaphore, #tpu.memory_space<semaphore_mem>>
    %dma_wait3A_545 = arith.constant 0 : i32
    %dma_wait3A_546 = arith.constant 0 : i32
    %dma_wait3A_547 = tpu.memref_slice %arg4[%add3A_532, %dma_wait3A_545, %dma_wait3A_546] : memref<16384x50x128xf32, #tpu.memory_space<hbm>> -> memref<1x50x128xf32, #tpu.memory_space<hbm>>
    %dma_wait3A_548 = tpu.memref_squeeze %dma_wait3A_547 : memref<1x50x128xf32, #tpu.memory_space<hbm>> -> memref<50x128xf32, #tpu.memory_space<hbm>>
    %dma_wait3A_549 = arith.constant 0 : i32
    %dma_wait3A_550 = arith.constant 0 : i32
    %dma_wait3A_551 = tpu.memref_slice %arg6[%dma_wait3A_533, %dma_wait3A_549, %dma_wait3A_550] : memref<8x50x128xf32, #tpu.memory_space<vmem>> -> memref<1x50x128xf32, #tpu.memory_space<vmem>>
    %dma_wait3A_552 = tpu.memref_squeeze %dma_wait3A_551 : memref<1x50x128xf32, #tpu.memory_space<vmem>> -> memref<50x128xf32, #tpu.memory_space<vmem>>
    tpu.wait_dma2 semaphore(%dma_wait3A_544 : memref<!tpu.dma_semaphore, #tpu.memory_space<semaphore_mem>>) src(%dma_wait3A_552 : memref<50x128xf32, #tpu.memory_space<vmem>>) dst(%dma_wait3A_548 : memref<50x128xf32, #tpu.memory_space<hbm>>)
    %add3A_553 = arith.constant 510 : i32
    %add3A_554 = arith.addi %mul3A_2, %add3A_553 : i32
    %dma_wait3A_555 = arith.constant 6 : i32
    %dma_wait3A_556 = arith.constant 6 : i32
    %dma_wait3A_557 = arith.constant 0 : i32
    %dma_wait3A_558 = arith.constant 0 : i32
    %dma_wait3A_559 = tpu.memref_slice %arg6[%dma_wait3A_555, %dma_wait3A_557, %dma_wait3A_558] : memref<8x50x128xf32, #tpu.memory_space<vmem>> -> memref<1x50x128xf32, #tpu.memory_space<vmem>>
    %dma_wait3A_560 = tpu.memref_squeeze %dma_wait3A_559 : memref<1x50x128xf32, #tpu.memory_space<vmem>> -> memref<50x128xf32, #tpu.memory_space<vmem>>
    %dma_wait3A_561 = arith.constant 0 : i32
    %dma_wait3A_562 = arith.constant 0 : i32
    %dma_wait3A_563 = tpu.memref_slice %arg4[%add3A_554, %dma_wait3A_561, %dma_wait3A_562] : memref<16384x50x128xf32, #tpu.memory_space<hbm>> -> memref<1x50x128xf32, #tpu.memory_space<hbm>>
    %dma_wait3A_564 = tpu.memref_squeeze %dma_wait3A_563 : memref<1x50x128xf32, #tpu.memory_space<hbm>> -> memref<50x128xf32, #tpu.memory_space<hbm>>
    %dma_wait3A_565 = tpu.memref_slice %arg8[%dma_wait3A_556] : memref<8x!tpu.dma_semaphore, #tpu.memory_space<semaphore_mem>> -> memref<1x!tpu.dma_semaphore, #tpu.memory_space<semaphore_mem>>
    %dma_wait3A_566 = tpu.memref_squeeze %dma_wait3A_565 : memref<1x!tpu.dma_semaphore, #tpu.memory_space<semaphore_mem>> -> memref<!tpu.dma_semaphore, #tpu.memory_space<semaphore_mem>>
    %dma_wait3A_567 = arith.constant 0 : i32
    %dma_wait3A_568 = arith.constant 0 : i32
    %dma_wait3A_569 = tpu.memref_slice %arg4[%add3A_554, %dma_wait3A_567, %dma_wait3A_568] : memref<16384x50x128xf32, #tpu.memory_space<hbm>> -> memref<1x50x128xf32, #tpu.memory_space<hbm>>
    %dma_wait3A_570 = tpu.memref_squeeze %dma_wait3A_569 : memref<1x50x128xf32, #tpu.memory_space<hbm>> -> memref<50x128xf32, #tpu.memory_space<hbm>>
    %dma_wait3A_571 = arith.constant 0 : i32
    %dma_wait3A_572 = arith.constant 0 : i32
    %dma_wait3A_573 = tpu.memref_slice %arg6[%dma_wait3A_555, %dma_wait3A_571, %dma_wait3A_572] : memref<8x50x128xf32, #tpu.memory_space<vmem>> -> memref<1x50x128xf32, #tpu.memory_space<vmem>>
    %dma_wait3A_574 = tpu.memref_squeeze %dma_wait3A_573 : memref<1x50x128xf32, #tpu.memory_space<vmem>> -> memref<50x128xf32, #tpu.memory_space<vmem>>
    tpu.wait_dma2 semaphore(%dma_wait3A_566 : memref<!tpu.dma_semaphore, #tpu.memory_space<semaphore_mem>>) src(%dma_wait3A_574 : memref<50x128xf32, #tpu.memory_space<vmem>>) dst(%dma_wait3A_570 : memref<50x128xf32, #tpu.memory_space<hbm>>)
    %add3A_575 = arith.constant 511 : i32
    %add3A_576 = arith.addi %mul3A_2, %add3A_575 : i32
    %dma_wait3A_577 = arith.constant 7 : i32
    %dma_wait3A_578 = arith.constant 7 : i32
    %dma_wait3A_579 = arith.constant 0 : i32
    %dma_wait3A_580 = arith.constant 0 : i32
    %dma_wait3A_581 = tpu.memref_slice %arg6[%dma_wait3A_577, %dma_wait3A_579, %dma_wait3A_580] : memref<8x50x128xf32, #tpu.memory_space<vmem>> -> memref<1x50x128xf32, #tpu.memory_space<vmem>>
    %dma_wait3A_582 = tpu.memref_squeeze %dma_wait3A_581 : memref<1x50x128xf32, #tpu.memory_space<vmem>> -> memref<50x128xf32, #tpu.memory_space<vmem>>
    %dma_wait3A_583 = arith.constant 0 : i32
    %dma_wait3A_584 = arith.constant 0 : i32
    %dma_wait3A_585 = tpu.memref_slice %arg4[%add3A_576, %dma_wait3A_583, %dma_wait3A_584] : memref<16384x50x128xf32, #tpu.memory_space<hbm>> -> memref<1x50x128xf32, #tpu.memory_space<hbm>>
    %dma_wait3A_586 = tpu.memref_squeeze %dma_wait3A_585 : memref<1x50x128xf32, #tpu.memory_space<hbm>> -> memref<50x128xf32, #tpu.memory_space<hbm>>
    %dma_wait3A_587 = tpu.memref_slice %arg8[%dma_wait3A_578] : memref<8x!tpu.dma_semaphore, #tpu.memory_space<semaphore_mem>> -> memref<1x!tpu.dma_semaphore, #tpu.memory_space<semaphore_mem>>
    %dma_wait3A_588 = tpu.memref_squeeze %dma_wait3A_587 : memref<1x!tpu.dma_semaphore, #tpu.memory_space<semaphore_mem>> -> memref<!tpu.dma_semaphore, #tpu.memory_space<semaphore_mem>>
    %dma_wait3A_589 = arith.constant 0 : i32
    %dma_wait3A_590 = arith.constant 0 : i32
    %dma_wait3A_591 = tpu.memref_slice %arg4[%add3A_576, %dma_wait3A_589, %dma_wait3A_590] : memref<16384x50x128xf32, #tpu.memory_space<hbm>> -> memref<1x50x128xf32, #tpu.memory_space<hbm>>
    %dma_wait3A_592 = tpu.memref_squeeze %dma_wait3A_591 : memref<1x50x128xf32, #tpu.memory_space<hbm>> -> memref<50x128xf32, #tpu.memory_space<hbm>>
    %dma_wait3A_593 = arith.constant 0 : i32
    %dma_wait3A_594 = arith.constant 0 : i32
    %dma_wait3A_595 = tpu.memref_slice %arg6[%dma_wait3A_577, %dma_wait3A_593, %dma_wait3A_594] : memref<8x50x128xf32, #tpu.memory_space<vmem>> -> memref<1x50x128xf32, #tpu.memory_space<vmem>>
    %dma_wait3A_596 = tpu.memref_squeeze %dma_wait3A_595 : memref<1x50x128xf32, #tpu.memory_space<vmem>> -> memref<50x128xf32, #tpu.memory_space<vmem>>
    tpu.wait_dma2 semaphore(%dma_wait3A_588 : memref<!tpu.dma_semaphore, #tpu.memory_space<semaphore_mem>>) src(%dma_wait3A_596 : memref<50x128xf32, #tpu.memory_space<vmem>>) dst(%dma_wait3A_592 : memref<50x128xf32, #tpu.memory_space<hbm>>)
    return
  }
}

</mosaic_0001>

<sc_bundles>
// kernel: kernel.3.cloned.1.call-start
scs
__scs_entry_jumppad:
0x0: {  	(pc) =	sbr.rel $0x88, $3  }
0x1: {  	(tag) =	ssettag $0x0;
	lr =	simm.s32 $0x1  }
0x2: {  	[smem:$0x3F9F] =	sst lr;
	_ =	strace $0xD0000000  }
0x3: {  	_ = 	snop  }
0x4: {  	_ = 	snop  }
0x5: {  	_ = 	snop  }
0x6: {  	_ = 	snop  }
0x7: {  	_ = 	snop  }
__scs_overlays_trampoline_lowered:
0x8: {  	[smem:$0x3FAE] =	sst s0  }
0x9: {  	[smem:$0x3FAF] =	sst s1  }
0xa: {  	[smem:$0x3FB0] =	sst s2  }
0xb: {  	[smem:$0x3FB1] =	sst s3  }
0xc: {  	[smem:$0x3FB2] =	sst s4  }
0xd: {  	[smem:$0x3FB3] =	sst s5  }
0xe: {  	[smem:$0x3FB4] =	sst s6  }
0xf: {  	[smem:$0x3FB5] =	sst s7  }
0x10: {  	[smem:$0x3FB6] =	sst s8  }
0x11: {  	[smem:$0x3FB7] =	sst s9;
	s0 =	simm.s32 @!p0 $0x0  }
0x12: {  	s1 =	sld [smem:$0x3F9D];
	s0 =	simm.s32 @p0 $0x1  }
0x13: {  	[smem:$0x3FB8] =	sst s0;
	s0 =	simm.s32 @!p1 $0x0  }
0x14: {  	s2 =	sld [smem:$0x3F9C];
	s0 =	simm.s32 @p1 $0x1  }
0x15: {  	[smem:$0x3FB9] =	sst s0;
	s0 =	simm.s32 @!p2 $0x0  }
0x16: {  	s3 =	sld [smem:$0x3FDB];
	s0 =	simm.s32 @p2 $0x1  }
0x17: {  	s4 =	simm.s32 $0x1BF5;
	[smem:$0x3FBB] =	sst s0  }
0x18: {  	s0 =	sld [smem:$0x3F9E];
	_ =	swait.ge [sflag:s4], $0x0  }
0x19: {  	s7 =	sld [smem:$0x3F9F]  }
0x1a: {  	s8 =	sadd.s32 $0xFFFFE003, lr  }
0x1b: {  	s9 =	sadd.s32 $0xFFFFFEF7, lr;
	s5 =	simm.s32 $0xFFFFFFFF;
	p2 =	slt.u32 s8, $0xFFFFF086  }
0x1c: {  	p1 =	slt.u32 s9, $0xF7A;
	s5 =	simm.s32 @!p2 $0x0  }
0x1d: {  	s5 =	simm.s32 @p1 $0x1;
	p0 =	seq.s32 s7, s2  }
0x1e: {  	s7 =	smul.u32 @!p0 $0xF7A, s2;
	p2 =	seq.s32 @!p0 s5, $0x0  }
0x1f: {  	s9 =	smul.u32 $0xF7A, s1;
	s8 =	simm.s32 @!p0 $0x1BF5;
	p2 =	por !p2, p0  }
0x20: {  	[sflag:s8] =	ssyncset.s32 @!p0 $0xFFFFF086;
	s6 =	sadd.s32 @!p0 s3, s7;
	s7 =	simm.s32 @!p0 $0x108  }
0x21: {  	s3 =	sadd.s32 s3, s9;
	s6 =	sadd.s32 @!p0 $0x88, s6;
	s7 =	simm.s32 @p2 $0x1082  }
0x22: {  	[simem:s7], [sflag:s8] =	dma.local @!p0 [hbm:s6], $0xF7A  }
0x23: {  	s9 =	sor.u32 $0xD0000000, s2;
	s6 =	simm.s32 $0x108;
	_ =	swait.ge @!p0 [sflag:s8], $0x0  }
0x24: {  	s3 =	sadd.s32 $0x88, s3;
	s6 =	simm.s32 @!p1 $0x1082;
	[sflag:s4] =	ssyncset.s32 $0xFFFFF086  }
0x25: {  	[simem:s6], [sflag:s4] =	dma.local [hbm:s3], $0xF7A  }
0x26: {  	[smem:$0x3F9F] =	sst s1;
	(tag) =	ssettag s2;
	_ =	strace s9  }
0x27: {  	s1 =	sld [smem:$0x3FAF]  }
0x28: {  	s2 =	sld [smem:$0x3FB0]  }
0x29: {  	s4 =	sld [smem:$0x3FB2]  }
0x2a: {  	p0 =	seq.s32 s5, $0x0;
	s5 =	sld [smem:$0x3FB3]  }
0x2b: {  	s6 =	sld [smem:$0x3FB4]  }
0x2c: {  	s7 =	sld [smem:$0x3FB5]  }
0x2d: {  	s3 =	simm.s32 $0x108;
	s8 =	sld [smem:$0x3FB6]  }
0x2e: {  	s3 =	simm.s32 @!p0 $0x1082;
	s9 =	sld [smem:$0x3FB7]  }
0x2f: {  	lr =	sadd.s32 s0, s3;
	s0 =	sld [smem:$0x3FAE]  }
0x30: {  	s3 =	sld [smem:$0x3FB1]  }
0x31: {  	[smem:$0x3FBA] =	sst s10  }
0x32: {  	s10 =	sld [smem:$0x3FB8];
	_ =	sdelay $0x3  }
0x33: {  	p0 =	seq.s32 s10, $0x1;
	s10 =	sld [smem:$0x3FBA];
	_ =	sdelay $0x3  }
0x34: {  	[smem:$0x3FBA] =	sst s10  }
0x35: {  	s10 =	sld [smem:$0x3FB9];
	_ =	sdelay $0x3  }
0x36: {  	p1 =	seq.s32 s10, $0x1;
	s10 =	sld [smem:$0x3FBA];
	_ =	sdelay $0x3  }
0x37: {  	[smem:$0x3FBA] =	sst s10  }
0x38: {  	s10 =	sld [smem:$0x3FBB]  }
0x39: {  	_ = 	snop;
	(pc) =	sbr.ind lr, $3  }
0x3a: {  	_ = 	snop  }
0x3b: {  	_ = 	snop  }
0x3c: {  	p2 =	seq.s32 s10, $0x1;
	s10 =	sld [smem:$0x3FBA]  }
0x3d: {  	_ =	shalt  }
0x3e: {  	_ =	shalt  }
0x3f: {  	_ =	shalt  }
0x40: {  	_ =	shalt  }
0x41: {  	_ =	shalt  }
0x42: {  	_ =	shalt  }
0x43: {  	_ =	shalt  }
0x44: {  	_ =	shalt  }
0x45: {  	_ =	shalt  }
0x46: {  	_ =	shalt  }
0x47: {  	_ =	shalt  }
0x48: {  	_ =	shalt  }
0x49: {  	_ =	shalt  }
0x4a: {  	_ =	shalt  }
0x4b: {  	_ =	shalt  }
0x4c: {  	_ =	shalt  }
0x4d: {  	_ =	shalt  }
0x4e: {  	_ =	shalt  }
0x4f: {  	_ =	shalt  }
0x50: {  	_ =	shalt  }
0x51: {  	_ =	shalt  }
0x52: {  	_ =	shalt  }
0x53: {  	_ =	shalt  }
0x54: {  	_ =	shalt  }
0x55: {  	_ =	shalt  }
0x56: {  	_ =	shalt  }
0x57: {  	_ =	shalt  }
0x58: {  	_ =	shalt  }
0x59: {  	_ =	shalt  }
0x5a: {  	_ =	shalt  }
0x5b: {  	_ =	shalt  }
0x5c: {  	_ =	shalt  }
0x5d: {  	_ =	shalt  }
0x5e: {  	_ =	shalt  }
0x5f: {  	_ =	shalt  }
0x60: {  	_ =	shalt  }
0x61: {  	_ =	shalt  }
0x62: {  	_ =	shalt  }
0x63: {  	_ =	shalt  }
0x64: {  	_ =	shalt  }
0x65: {  	_ =	shalt  }
0x66: {  	_ =	shalt  }
0x67: {  	_ =	shalt  }
0x68: {  	_ =	shalt  }
0x69: {  	_ =	shalt  }
0x6a: {  	_ =	shalt  }
0x6b: {  	_ =	shalt  }
0x6c: {  	_ =	shalt  }
0x6d: {  	_ =	shalt  }
0x6e: {  	_ =	shalt  }
0x6f: {  	_ =	shalt  }
0x70: {  	_ =	shalt  }
0x71: {  	_ =	shalt  }
0x72: {  	_ =	shalt  }
0x73: {  	_ =	shalt  }
0x74: {  	_ =	shalt  }
0x75: {  	_ =	shalt  }
0x76: {  	_ =	shalt  }
0x77: {  	_ =	shalt  }
0x78: {  	_ =	shalt  }
0x79: {  	_ =	shalt  }
0x7a: {  	_ =	shalt  }
0x7b: {  	_ =	shalt  }
0x7c: {  	_ =	shalt  }
0x7d: {  	_ =	shalt  }
0x7e: {  	_ =	shalt  }
0x7f: {  	_ =	shalt  }
0x80: {  	_ =	shalt  }
0x81: {  	_ =	shalt  }
0x82: {  	_ =	shalt  }
0x83: {  	_ =	shalt  }
0x84: {  	_ =	shalt  }
0x85: {  	_ =	shalt  }
0x86: {  	_ =	shalt  }
0x87: {  	_ =	shalt  }
.Lfunc_end0:
.L_simem_size_0:
called_computation.1_lowered:
.L_overlay_start_0:
0x88: {  	s2 =	sld [smem:$0x3FD9]  }
0x89: {  	s3 =	sld [smem:$0x3FFE];
	_ =	sdelay $0x1  }
0x8a: {  	s1 =	srdreg.scid  }
0x8b: {  	s0 =	sand.u32 $0x1, s1  }
0x8c: {  	s17 =	sshll.u32 s0, $0xA;
	s2 =	sadd.s32 s3, s2  }
0x8d: {  	s2 =	sadd.s32 s2, s17  }
0x8e: {  	[smem:$0x3FC6] =	sst s2  }
0x8f: {  	_ = 	snop  }
0x90: {  	s2 =	sld [smem:$0x3FD0];
	(tm) =	ssettm $0x1  }
0x91: {  	s18 =	sld [smem:$0x3FFB];
	_ =	sdelay $0x3  }
0x92: {  	_ =	strace s18  }
0x93: {  	s3 =	sld [smem:$0x3FFC];
	_ =	sdelay $0x3  }
0x94: {  	_ =	strace s3  }
0x95: {  	s3 =	sld [smem:$0x3FFD];
	_ =	sdelay $0x3  }
0x96: {  	_ =	strace s3  }
0x97: {  	_ =	strace $0x8FFFFFFF  }
0x98: {  	s19 =	sld [smem:$0x3FDB];
	_ =	sdelay $0x1  }
0x99: {  	s4 =	simm.s32 $_scs_section_size  }
0x9a: {  	s5 =	simm.s32 $_size__tile_overlayer_lowered;
	s6 =	simm.s32 $_tile_overlayer_lowered  }
0x9b: {  	s22 =	simm.s32 $0x1BFF;
	s21 =	sshll.u32 s6, $0x1;
	s3 =	sadd.s32 s4, s19  }
0x9c: {  	s7 =	simm.s32 $0x0;
	s20 =	sshll.u32 s5, $0x1;
	s5 =	sadd.s32 s21, s3  }
0x9d: {  	[timem:s7], [sflag:s22] =	dma.local [hbm:s5], s20  }
0x9e: {  	_ =	swait.ge [sflag:s22], s20  }
0x9f: {  	s4 =	ssub.s32 $0x0, s20;
	[sflag:s22] =	ssyncset.done $0x0  }
0xa0: {  	[sflag:s22] =	ssyncadd.s32 s4;
	_ =	sdelay $0x1  }
0xa1: {  	s23 =	simm.s32 $0x1B8B  }
0xa2: {  	_ =	swait.ge [sflag:s23], $0x1  }
0xa3: {  	[sflag:s23] =	ssyncset.done $0x0  }
0xa4: {  	s25 =	simm.s32 $0x1B8E;
	s24 =	sld [smem:$0x3FFE];
	[sflag:s23] =	ssyncadd.s32 $0xFFFFFFFF  }
0xa5: {  	s26 =	simm.s32 $execute0_lowered;
	[smem:$0x3FD2] =	sst s25  }
0xa6: {  	s5 =	sshll.u32 s26, $0x1;
	_ =	strace $0x80000046;
	[dreg:$0x1] =	wrdreg $0xFFFFFFFF  }
0xa7: {  	s28 =	simm.s32 $_size_execute0_lowered;
	s3 =	sadd.s32 s3, s5;
	[dreg:$0x0] =	wrdreg $0x0  }
0xa8: {  	s5 =	sshll.u32 s28, $0x1;
	[dreg:$0x2] =	wrdreg s3  }
0xa9: {  	[dreg:$0x3] =	wrdreg s5  }
0xaa: {  	[dreg:$0x4] =	wrdreg $0xC0  }
0xab: {  	_ =	task [dreg:s7], $0x5FFFF  }
0xac: {  	[dreg:$0x1] =	wrdreg $0xFFFFFFFF  }
0xad: {  	[dreg:$0x0] =	wrdreg $0x60  }
0xae: {  	[dreg:$0x2] =	wrdreg s2  }
0xaf: {  	[dreg:$0x3] =	wrdreg s24  }
0xb0: {  	[dreg:$0x4] =	wrdreg $0x9  }
0xb1: {  	_ =	task.clear_ibuf [dreg:s7], $0x5FFFF;
	_ =	strace $0x90000046  }
0xb2: {  	s29 =	simm.s32 $0x9;
	_ =	strace $0x80000048  }
0xb3: {  	_ =	swait.ge [sflag:s29], $0x1  }
0xb4: {  	[sflag:s29] =	ssyncadd.s32 $0xFFFFFFFF  }
0xb5: {  	_ =	strace $0x90000048  }
0xb6: {  	_ =	sfence  }
0xb7: {  	s30 =	sld [smem:$0x0];
	_ =	sdelay $0x2  }
0xb8: {  	s31 =	sshll.u32 s1, $0xD;
	s1 =	sshrl.u32 s1, $0x2  }
0xb9: {  	s3 =	sand.u32 $0x4000, s31;
	s1 =	sadd.s32 s1, s30  }
0xba: {  	s0 =	sor.u32 s3, s0;
	s1 =	sshll.u32 s1, $0x11  }
0xbb: {  	s0 =	sor.u32 s1, s0  }
0xbc: {  	s0 =	sadd.s32 $0x8F2B, s0  }
0xbd: {  	[sflag:s0] =	ssyncadd.remote.s32 $0x1  }
0xbe: {  	_ =	sfence.sel $0xFFFF  }
0xbf: {  	[dreg:$0x0] =	wrdreg $0xFFFFFFFF;
	(pc) =	sbr.abs _section_cstart, $3  }
0xc0: {  	[dreg:$0x1] =	wrdreg $0xFFFFFFFF  }
0xc1: {  	_ =	task.clear_ibuf [dreg:s7], $0x2FFFF;
	_ =	strace $0x9FFFFFFF  }
0xc2: {  	(tm) =	ssettm $0x7FFFFFFF  }
0xc3: {  	_ =	shalt  }
tec
execute0_lowered:
.L_overlay_start_1:
0x0: {  	(tag) =	ssettag $0x1  }
0x1: {  	s0 =	rddreg [dreg:$0x0];
	s1 =	srdreg.scid  }
0x2: {  	s9 =	stileid.u32;
	s4 =	rddreg [dreg:$0x1]  }
0x3: {  	s2 =	simm.s32 $0x0;
	s16 =	simm.s32 $0x32;
	s28 =	simm.s32 $0x18C00  }
0x4: {  	s30 =	simm.s32 $0x1A800;
	s29 =	simm.s32 $0x4;
	s31 =	simm.s32 $0xC  }
0x5: {  	s10 =	simm.s32 $0x8;
	s11 =	simm.s32 $0x10;
	s13 =	simm.s32 $0x0  }
0x6: {  	s1 =	sand.u32 $0x1, s1;
	s3 =	sshll.u32 s9, $0x1;
	[smem:$0x7FF] =	sst s2  }
0x7: {  	s21 =	smul.u32 $0xE0000, s9;
	s9 =	simm.s32 $0xF;
	s5 =	sor.u32 s1, s3  }
0x8: {  	_ =	strace $0x80000047;
	s3 =	sadd.s32 $0xF42E00, s4;
	s7 =	ssub.s32 $0x2, s1  }
0x9: {  	s4 =	sadd.s32 $0xA00, s4;
	s6 =	smul.u32 $0x380000, s5;
	s8 =	sshrl.u32 s7, $0x1  }
0xa: {  	s1 =	smul.u32 $0x70000, s1;
	s5 =	sshll.u32 s5, $0xD;
	s7 =	ssub.s32 s7, s8  }
0xb: {  	s0 =	sadd.s32 s0, s5;
	s5 =	simm.s32 $0xD;
	s6 =	sshrl.u32 s6, $0x3  }
0xc: {  	[dreg:$0x3] =	wrdreg s0;
	s0 =	sadd.s32 s21, s4;
	s26 =	smax.u32 s7, $0x1  }
0xd: {  	s6 =	sadd.s32 s4, s6;
	[dreg:$0xc] =	wrdreg s26;
	s0 =	sadd.s32 s1, s0  }
0xe: {  	s8 =	simm.s32 $0x7;
	s17 =	sadd.s32 $0x6E400, s6;
	[dreg:$0xd] =	wrdreg s0  }
0xf: {  	s21 =	simm.s32 $0x13800;
	s18 =	sadd.s32 $0x6E780, s6;
	[dreg:$0x4] =	wrdreg s17  }
0x10: {  	s7 =	simm.s32 $0xE;
	s19 =	sadd.s32 $0x6EB00, s6;
	[dreg:$0x5] =	wrdreg s18  }
0x11: {  	s1 =	simm.s32 $0x1C400;
	s20 =	sadd.s32 $0x6EE80, s6;
	[dreg:$0x6] =	wrdreg s19  }
0x12: {  	s26 =	simm.s32 $0xB;
	s22 =	sadd.s32 $0x6F200, s6;
	[dreg:$0x7] =	wrdreg s20  }
0x13: {  	s4 =	simm.s32 $0x5;
	s23 =	sadd.s32 $0x6F580, s6;
	[dreg:$0x8] =	wrdreg s22  }
0x14: {  	s24 =	sadd.s32 $0x6F900, s6;
	s25 =	sadd.s32 $0x6FC80, s6;
	[dreg:$0x9] =	wrdreg s23  }
0x15: {  	s0 =	simm.s32 $0x1;
	s6 =	simm.s32 $0x6;
	[dreg:$0xa] =	wrdreg s24  }
0x16: {  	[dreg:$0xb] =	wrdreg s25;
	s17 =	simm.s32 $0x10000;
	s19 =	simm.s32 $0x11C00  }
0x17: {  	s23 =	simm.s32 $0x15400;
	s25 =	simm.s32 $0x17000;
	s18 =	simm.s32 $0x9  }
0x18: {  	s20 =	simm.s32 $0x2;
	s22 =	simm.s32 $0xA;
	s24 =	simm.s32 $0x3  }
.LBB2_1:
0x19: {  	[dreg:$0xe] =	wrdreg s13  }
0x1a: {  	s12 =	rddreg [dreg:$0x3];
	s14 =	simm.s32 $0x11  }
0x1b: {  	[tilespmem:s2], [sflag:$0x11] =	stream.linear.gather [hbm4b:s12+s2], $0x10000, $0x38;
	[tilespmem:$0x1E000] =	vst v63  }
0x1c: {  	_ =	swait.ge [sflag:s14], $0x10000  }
0x1d: {  	[sflag:s14] =	ssyncset.done $0x0  }
0x1e: {  	[sflag:s14] =	ssyncadd.s32 $0xFFFF0000  }
0x1f: {  	[tilespmem:s17], [sflag:$0x1] =	stream.indirect.gather [hbm4b:s3+s16], $0x80, s2, s16, $0xb8;
	[tilespmem:$0x1E000] =	vst v63  }
0x20: {  	s15 =	simm.s32 $0x80  }
0x21: {  	[tilespmem:s19], [sflag:$0x2] =	stream.indirect.gather [hbm4b:s3+s16], $0x80, s15, s16, $0xb8;
	[tilespmem:$0x1E000] =	vst v63  }
0x22: {  	s13 =	simm.s32 $0x100  }
0x23: {  	[tilespmem:s21], [sflag:$0x3] =	stream.indirect.gather [hbm4b:s3+s16], $0x80, s13, s16, $0xb8;
	[tilespmem:$0x1E000] =	vst v63  }
0x24: {  	s14 =	simm.s32 $0x180  }
0x25: {  	[tilespmem:s23], [sflag:$0x4] =	stream.indirect.gather [hbm4b:s3+s16], $0x80, s14, s16, $0xb8;
	[tilespmem:$0x1E000] =	vst v63  }
0x26: {  	s15 =	simm.s32 $0x200  }
0x27: {  	[tilespmem:s25], [sflag:$0x5] =	stream.indirect.gather [hbm4b:s3+s16], $0x80, s15, s16, $0xb8;
	[tilespmem:$0x1E000] =	vst v63  }
0x28: {  	s13 =	simm.s32 $0x280  }
0x29: {  	[tilespmem:s28], [sflag:$0x6] =	stream.indirect.gather [hbm4b:s3+s16], $0x80, s13, s16, $0xb8;
	[tilespmem:$0x1E000] =	vst v63  }
0x2a: {  	s14 =	simm.s32 $0x300  }
0x2b: {  	[tilespmem:s30], [sflag:$0x7] =	stream.indirect.gather [hbm4b:s3+s16], $0x80, s14, s16, $0xb8;
	[tilespmem:$0x1E000] =	vst v63  }
0x2c: {  	s15 =	simm.s32 $0x380  }
0x2d: {  	[tilespmem:s1], [sflag:$0x8] =	stream.indirect.gather [hbm4b:s3+s16], $0x80, s15, s16, $0xb8;
	[tilespmem:$0x1E000] =	vst v63  }
0x2e: {  	_ =	swait.ge [sflag:s0], $0x1900  }
0x2f: {  	[sflag:s0] =	ssyncset.done $0x0  }
0x30: {  	s14 =	rddreg [dreg:$0xd];
	[sflag:s0] =	ssyncadd.s32 $0xFFFFE700  }
0x31: {  	[hbm4b:s14+s2] =	stream.linear.scatter [tilespmem:s17], [sflag:$0x9], $0x1900, $0x38;
	[tilespmem:$0x1E000] =	vst v63  }
0x32: {  	_ =	swait.ge [sflag:s18], $0x1900  }
0x33: {  	[sflag:s18] =	ssyncset.done $0x0  }
0x34: {  	s13 =	simm.s32 $0x400;
	[sflag:s18] =	ssyncadd.s32 $0xFFFFE700  }
0x35: {  	[tilespmem:s17], [sflag:$0x1] =	stream.indirect.gather [hbm4b:s3+s16], $0x80, s13, s16, $0xb8;
	[tilespmem:$0x1E000] =	vst v63  }
0x36: {  	_ =	swait.ge [sflag:s20], $0x1900  }
0x37: {  	[sflag:s20] =	ssyncset.done $0x0  }
0x38: {  	s15 =	sadd.s32 $0x380, s14;
	[sflag:s20] =	ssyncadd.s32 $0xFFFFE700  }
0x39: {  	[hbm4b:s15+s2] =	stream.linear.scatter [tilespmem:s19], [sflag:$0xA], $0x1900, $0x38;
	[tilespmem:$0x1E000] =	vst v63  }
0x3a: {  	_ =	swait.ge [sflag:s22], $0x1900  }
0x3b: {  	[sflag:s22] =	ssyncset.done $0x0  }
0x3c: {  	s13 =	simm.s32 $0x480;
	[sflag:s22] =	ssyncadd.s32 $0xFFFFE700  }
0x3d: {  	[tilespmem:s19], [sflag:$0x2] =	stream.indirect.gather [hbm4b:s3+s16], $0x80, s13, s16, $0xb8;
	[tilespmem:$0x1E000] =	vst v63  }
0x3e: {  	_ =	swait.ge [sflag:s24], $0x1900  }
0x3f: {  	[sflag:s24] =	ssyncset.done $0x0  }
0x40: {  	s15 =	sadd.s32 $0x700, s14;
	[sflag:s24] =	ssyncadd.s32 $0xFFFFE700  }
0x41: {  	[hbm4b:s15+s2] =	stream.linear.scatter [tilespmem:s21], [sflag:$0xB], $0x1900, $0x38;
	[tilespmem:$0x1E000] =	vst v63  }
0x42: {  	_ =	swait.ge [sflag:s26], $0x1900  }
0x43: {  	[sflag:s26] =	ssyncset.done $0x0  }
0x44: {  	s13 =	simm.s32 $0x500;
	[sflag:s26] =	ssyncadd.s32 $0xFFFFE700  }
0x45: {  	[tilespmem:s21], [sflag:$0x3] =	stream.indirect.gather [hbm4b:s3+s16], $0x80, s13, s16, $0xb8;
	[tilespmem:$0x1E000] =	vst v63  }
0x46: {  	_ =	swait.ge [sflag:s29], $0x1900  }
0x47: {  	[sflag:s29] =	ssyncset.done $0x0  }
0x48: {  	s15 =	sadd.s32 $0xA80, s14;
	[sflag:s29] =	ssyncadd.s32 $0xFFFFE700  }
0x49: {  	[hbm4b:s15+s2] =	stream.linear.scatter [tilespmem:s23], [sflag:$0xC], $0x1900, $0x38;
	[tilespmem:$0x1E000] =	vst v63  }
0x4a: {  	_ =	swait.ge [sflag:s31], $0x1900  }
0x4b: {  	[sflag:s31] =	ssyncset.done $0x0  }
0x4c: {  	s13 =	simm.s32 $0x580;
	[sflag:s31] =	ssyncadd.s32 $0xFFFFE700  }
0x4d: {  	[tilespmem:s23], [sflag:$0x4] =	stream.indirect.gather [hbm4b:s3+s16], $0x80, s13, s16, $0xb8;
	[tilespmem:$0x1E000] =	vst v63  }
0x4e: {  	_ =	swait.ge [sflag:s4], $0x1900  }
0x4f: {  	[sflag:s4] =	ssyncset.done $0x0  }
0x50: {  	s15 =	sadd.s32 $0xE00, s14;
	[sflag:s4] =	ssyncadd.s32 $0xFFFFE700  }
0x51: {  	[hbm4b:s15+s2] =	stream.linear.scatter [tilespmem:s25], [sflag:$0xD], $0x1900, $0x38;
	[tilespmem:$0x1E000] =	vst v63  }
0x52: {  	_ =	swait.ge [sflag:s5], $0x1900  }
0x53: {  	[sflag:s5] =	ssyncset.done $0x0  }
0x54: {  	s13 =	simm.s32 $0x600;
	[sflag:s5] =	ssyncadd.s32 $0xFFFFE700  }
0x55: {  	[tilespmem:s25], [sflag:$0x5] =	stream.indirect.gather [hbm4b:s3+s16], $0x80, s13, s16, $0xb8;
	[tilespmem:$0x1E000] =	vst v63  }
0x56: {  	_ =	swait.ge [sflag:s6], $0x1900  }
0x57: {  	[sflag:s6] =	ssyncset.done $0x0  }
0x58: {  	s15 =	sadd.s32 $0x1180, s14;
	[sflag:s6] =	ssyncadd.s32 $0xFFFFE700  }
0x59: {  	[hbm4b:s15+s2] =	stream.linear.scatter [tilespmem:s28], [sflag:$0xE], $0x1900, $0x38;
	[tilespmem:$0x1E000] =	vst v63  }
0x5a: {  	_ =	swait.ge [sflag:s7], $0x1900  }
0x5b: {  	[sflag:s7] =	ssyncset.done $0x0  }
0x5c: {  	s13 =	simm.s32 $0x680;
	[sflag:s7] =	ssyncadd.s32 $0xFFFFE700  }
0x5d: {  	[tilespmem:s28], [sflag:$0x6] =	stream.indirect.gather [hbm4b:s3+s16], $0x80, s13, s16, $0xb8;
	[tilespmem:$0x1E000] =	vst v63  }
0x5e: {  	_ =	swait.ge [sflag:s8], $0x1900  }
0x5f: {  	[sflag:s8] =	ssyncset.done $0x0  }
0x60: {  	s15 =	sadd.s32 $0x1500, s14;
	[sflag:s8] =	ssyncadd.s32 $0xFFFFE700  }
0x61: {  	[hbm4b:s15+s2] =	stream.linear.scatter [tilespmem:s30], [sflag:$0xF], $0x1900, $0x38;
	[tilespmem:$0x1E000] =	vst v63  }
0x62: {  	_ =	swait.ge [sflag:s9], $0x1900  }
0x63: {  	[sflag:s9] =	ssyncset.done $0x0  }
0x64: {  	s13 =	simm.s32 $0x700;
	[sflag:s9] =	ssyncadd.s32 $0xFFFFE700  }
0x65: {  	[tilespmem:s30], [sflag:$0x7] =	stream.indirect.gather [hbm4b:s3+s16], $0x80, s13, s16, $0xb8;
	[tilespmem:$0x1E000] =	vst v63  }
0x66: {  	_ =	swait.ge [sflag:s10], $0x1900  }
0x67: {  	[sflag:s10] =	ssyncset.done $0x0  }
0x68: {  	s15 =	sadd.s32 $0x1880, s14;
	[sflag:s10] =	ssyncadd.s32 $0xFFFFE700  }
0x69: {  	[hbm4b:s15+s2] =	stream.linear.scatter [tilespmem:s1], [sflag:$0x10], $0x1900, $0x38;
	[tilespmem:$0x1E000] =	vst v63  }
0x6a: {  	_ =	swait.ge [sflag:s11], $0x1900  }
0x6b: {  	s12 =	simm.s32 $0x780;
	[sflag:s11] =	ssyncset.done $0x0  }
0x6c: {  	s13 =	simm.s32 $0x1000;
	s15 =	sadd.s32 $0x1C00, s14;
	[sflag:s11] =	ssyncadd.s32 $0xFFFFE700  }
.LBB2_2:
0x6d: {  	[tilespmem:s1], [sflag:$0x8] =	stream.indirect.gather [hbm4b:s3+s16], $0x80, s12, s16, $0xb8;
	[tilespmem:$0x1E000] =	vst v63  }
0x6e: {  	s12 =	smov.u32 s13  }
0x6f: {  	p0 =	sne.s32 s13, $0x3E000;
	s13 =	sadd.s32 $0x1000, s13;
	_ =	swait.ge [sflag:s0], $0x1900  }
0x70: {  	[sflag:s0] =	ssyncset.done $0x0  }
0x71: {  	[sflag:s0] =	ssyncadd.s32 $0xFFFFE700  }
0x72: {  	[hbm4b:s15+s2] =	stream.linear.scatter [tilespmem:s17], [sflag:$0x9], $0x1900, $0x38;
	[tilespmem:$0x1E000] =	vst v63  }
0x73: {  	_ =	swait.ge [sflag:s18], $0x1900  }
0x74: {  	s12 =	sshra.s32 s12, $0x2;
	[sflag:s18] =	ssyncset.done $0x0  }
0x75: {  	s14 =	sadd.s32 $0x400, s12;
	[sflag:s18] =	ssyncadd.s32 $0xFFFFE700  }
0x76: {  	[tilespmem:s17], [sflag:$0x1] =	stream.indirect.gather [hbm4b:s3+s16], $0x80, s14, s16, $0xb8;
	[tilespmem:$0x1E000] =	vst v63  }
0x77: {  	_ =	swait.ge [sflag:s20], $0x1900  }
0x78: {  	[sflag:s20] =	ssyncset.done $0x0  }
0x79: {  	s14 =	sadd.s32 $0x380, s15;
	[sflag:s20] =	ssyncadd.s32 $0xFFFFE700  }
0x7a: {  	[hbm4b:s14+s2] =	stream.linear.scatter [tilespmem:s19], [sflag:$0xA], $0x1900, $0x38;
	[tilespmem:$0x1E000] =	vst v63  }
0x7b: {  	_ =	swait.ge [sflag:s22], $0x1900  }
0x7c: {  	[sflag:s22] =	ssyncset.done $0x0  }
0x7d: {  	s14 =	sadd.s32 $0x480, s12;
	[sflag:s22] =	ssyncadd.s32 $0xFFFFE700  }
0x7e: {  	[tilespmem:s19], [sflag:$0x2] =	stream.indirect.gather [hbm4b:s3+s16], $0x80, s14, s16, $0xb8;
	[tilespmem:$0x1E000] =	vst v63  }
0x7f: {  	_ =	swait.ge [sflag:s24], $0x1900  }
0x80: {  	[sflag:s24] =	ssyncset.done $0x0  }
0x81: {  	s14 =	sadd.s32 $0x700, s15;
	[sflag:s24] =	ssyncadd.s32 $0xFFFFE700  }
0x82: {  	[hbm4b:s14+s2] =	stream.linear.scatter [tilespmem:s21], [sflag:$0xB], $0x1900, $0x38;
	[tilespmem:$0x1E000] =	vst v63  }
0x83: {  	_ =	swait.ge [sflag:s26], $0x1900  }
0x84: {  	[sflag:s26] =	ssyncset.done $0x0  }
0x85: {  	s14 =	sadd.s32 $0x500, s12;
	[sflag:s26] =	ssyncadd.s32 $0xFFFFE700  }
0x86: {  	[tilespmem:s21], [sflag:$0x3] =	stream.indirect.gather [hbm4b:s3+s16], $0x80, s14, s16, $0xb8;
	[tilespmem:$0x1E000] =	vst v63  }
0x87: {  	_ =	swait.ge [sflag:s29], $0x1900  }
0x88: {  	[sflag:s29] =	ssyncset.done $0x0  }
0x89: {  	s14 =	sadd.s32 $0xA80, s15;
	[sflag:s29] =	ssyncadd.s32 $0xFFFFE700  }
0x8a: {  	[hbm4b:s14+s2] =	stream.linear.scatter [tilespmem:s23], [sflag:$0xC], $0x1900, $0x38;
	[tilespmem:$0x1E000] =	vst v63  }
0x8b: {  	_ =	swait.ge [sflag:s31], $0x1900  }
0x8c: {  	[sflag:s31] =	ssyncset.done $0x0  }
0x8d: {  	s14 =	sadd.s32 $0x580, s12;
	[sflag:s31] =	ssyncadd.s32 $0xFFFFE700  }
0x8e: {  	[tilespmem:s23], [sflag:$0x4] =	stream.indirect.gather [hbm4b:s3+s16], $0x80, s14, s16, $0xb8;
	[tilespmem:$0x1E000] =	vst v63  }
0x8f: {  	_ =	swait.ge [sflag:s4], $0x1900  }
0x90: {  	[sflag:s4] =	ssyncset.done $0x0  }
0x91: {  	s14 =	sadd.s32 $0xE00, s15;
	[sflag:s4] =	ssyncadd.s32 $0xFFFFE700  }
0x92: {  	[hbm4b:s14+s2] =	stream.linear.scatter [tilespmem:s25], [sflag:$0xD], $0x1900, $0x38;
	[tilespmem:$0x1E000] =	vst v63  }
0x93: {  	_ =	swait.ge [sflag:s5], $0x1900  }
0x94: {  	[sflag:s5] =	ssyncset.done $0x0  }
0x95: {  	s14 =	sadd.s32 $0x600, s12;
	[sflag:s5] =	ssyncadd.s32 $0xFFFFE700  }
0x96: {  	[tilespmem:s25], [sflag:$0x5] =	stream.indirect.gather [hbm4b:s3+s16], $0x80, s14, s16, $0xb8;
	[tilespmem:$0x1E000] =	vst v63  }
0x97: {  	_ =	swait.ge [sflag:s6], $0x1900  }
0x98: {  	[sflag:s6] =	ssyncset.done $0x0  }
0x99: {  	s14 =	sadd.s32 $0x1180, s15;
	[sflag:s6] =	ssyncadd.s32 $0xFFFFE700  }
0x9a: {  	[hbm4b:s14+s2] =	stream.linear.scatter [tilespmem:s28], [sflag:$0xE], $0x1900, $0x38;
	[tilespmem:$0x1E000] =	vst v63  }
0x9b: {  	_ =	swait.ge [sflag:s7], $0x1900  }
0x9c: {  	[sflag:s7] =	ssyncset.done $0x0  }
0x9d: {  	s14 =	sadd.s32 $0x680, s12;
	[sflag:s7] =	ssyncadd.s32 $0xFFFFE700  }
0x9e: {  	[tilespmem:s28], [sflag:$0x6] =	stream.indirect.gather [hbm4b:s3+s16], $0x80, s14, s16, $0xb8;
	[tilespmem:$0x1E000] =	vst v63  }
0x9f: {  	_ =	swait.ge [sflag:s8], $0x1900  }
0xa0: {  	[sflag:s8] =	ssyncset.done $0x0  }
0xa1: {  	s14 =	sadd.s32 $0x1500, s15;
	[sflag:s8] =	ssyncadd.s32 $0xFFFFE700  }
0xa2: {  	[hbm4b:s14+s2] =	stream.linear.scatter [tilespmem:s30], [sflag:$0xF], $0x1900, $0x38;
	[tilespmem:$0x1E000] =	vst v63  }
0xa3: {  	_ =	swait.ge [sflag:s9], $0x1900  }
0xa4: {  	[sflag:s9] =	ssyncset.done $0x0  }
0xa5: {  	s14 =	sadd.s32 $0x700, s12;
	[sflag:s9] =	ssyncadd.s32 $0xFFFFE700  }
0xa6: {  	[tilespmem:s30], [sflag:$0x7] =	stream.indirect.gather [hbm4b:s3+s16], $0x80, s14, s16, $0xb8;
	[tilespmem:$0x1E000] =	vst v63  }
0xa7: {  	_ =	swait.ge [sflag:s10], $0x1900  }
0xa8: {  	[sflag:s10] =	ssyncset.done $0x0  }
.Ltmp0:
0xa9: {  	s14 =	sadd.s32 $0x1880, s15;
	[sflag:s10] =	ssyncadd.s32 $0xFFFFE700;
	(pc) =	sbr.rel @p0 .LBB2_2-.Ltmp0, $4  }
0xaa: {  	[hbm4b:s14+s2] =	stream.linear.scatter [tilespmem:s1], [sflag:$0x10], $0x1900, $0x38;
	[tilespmem:$0x1E000] =	vst v63  }
0xab: {  	_ =	swait.ge [sflag:s11], $0x1900  }
0xac: {  	[sflag:s11] =	ssyncset.done $0x0  }
0xad: {  	s12 =	sadd.s32 $0x780, s12;
	s15 =	sadd.s32 $0x1C00, s15;
	[sflag:s11] =	ssyncadd.s32 $0xFFFFE700  }
0xae: {  	[tilespmem:s1], [sflag:$0x8] =	stream.indirect.gather [hbm4b:s3+s16], $0x80, s12, s16, $0xb8;
	[tilespmem:$0x1E000] =	vst v63  }
0xaf: {  	_ =	swait.ge [sflag:s0], $0x1900  }
0xb0: {  	[sflag:s0] =	ssyncset.done $0x0  }
0xb1: {  	s13 =	rddreg [dreg:$0x4];
	[sflag:s0] =	ssyncadd.s32 $0xFFFFE700  }
0xb2: {  	[hbm4b:s13+s2] =	stream.linear.scatter [tilespmem:s17], [sflag:$0x9], $0x1900, $0x38;
	[tilespmem:$0x1E000] =	vst v63  }
0xb3: {  	_ =	swait.ge [sflag:s20], $0x1900  }
0xb4: {  	[sflag:s20] =	ssyncset.done $0x0  }
0xb5: {  	s14 =	rddreg [dreg:$0x5];
	[sflag:s20] =	ssyncadd.s32 $0xFFFFE700  }
0xb6: {  	[hbm4b:s14+s2] =	stream.linear.scatter [tilespmem:s19], [sflag:$0xA], $0x1900, $0x38;
	[tilespmem:$0x1E000] =	vst v63  }
0xb7: {  	_ =	swait.ge [sflag:s24], $0x1900  }
0xb8: {  	[sflag:s24] =	ssyncset.done $0x0  }
0xb9: {  	s15 =	rddreg [dreg:$0x6];
	[sflag:s24] =	ssyncadd.s32 $0xFFFFE700  }
0xba: {  	[hbm4b:s15+s2] =	stream.linear.scatter [tilespmem:s21], [sflag:$0xB], $0x1900, $0x38;
	[tilespmem:$0x1E000] =	vst v63  }
0xbb: {  	_ =	swait.ge [sflag:s29], $0x1900  }
0xbc: {  	[sflag:s29] =	ssyncset.done $0x0  }
0xbd: {  	s13 =	rddreg [dreg:$0x7];
	[sflag:s29] =	ssyncadd.s32 $0xFFFFE700  }
0xbe: {  	[hbm4b:s13+s2] =	stream.linear.scatter [tilespmem:s23], [sflag:$0xC], $0x1900, $0x38;
	[tilespmem:$0x1E000] =	vst v63  }
0xbf: {  	_ =	swait.ge [sflag:s4], $0x1900  }
0xc0: {  	[sflag:s4] =	ssyncset.done $0x0  }
0xc1: {  	s14 =	rddreg [dreg:$0x8];
	[sflag:s4] =	ssyncadd.s32 $0xFFFFE700  }
0xc2: {  	[hbm4b:s14+s2] =	stream.linear.scatter [tilespmem:s25], [sflag:$0xD], $0x1900, $0x38;
	[tilespmem:$0x1E000] =	vst v63  }
0xc3: {  	_ =	swait.ge [sflag:s6], $0x1900  }
0xc4: {  	[sflag:s6] =	ssyncset.done $0x0  }
0xc5: {  	s15 =	rddreg [dreg:$0x9];
	[sflag:s6] =	ssyncadd.s32 $0xFFFFE700  }
0xc6: {  	[hbm4b:s15+s2] =	stream.linear.scatter [tilespmem:s28], [sflag:$0xE], $0x1900, $0x38;
	[tilespmem:$0x1E000] =	vst v63  }
0xc7: {  	_ =	swait.ge [sflag:s8], $0x1900  }
0xc8: {  	[sflag:s8] =	ssyncset.done $0x0  }
0xc9: {  	s13 =	rddreg [dreg:$0xa];
	[sflag:s8] =	ssyncadd.s32 $0xFFFFE700  }
0xca: {  	[hbm4b:s13+s2] =	stream.linear.scatter [tilespmem:s30], [sflag:$0xF], $0x1900, $0x38;
	[tilespmem:$0x1E000] =	vst v63  }
0xcb: {  	_ =	swait.ge [sflag:s10], $0x1900  }
0xcc: {  	[sflag:s10] =	ssyncset.done $0x0  }
0xcd: {  	s14 =	rddreg [dreg:$0xb];
	[sflag:s10] =	ssyncadd.s32 $0xFFFFE700  }
0xce: {  	[hbm4b:s14+s2] =	stream.linear.scatter [tilespmem:s1], [sflag:$0x10], $0x1900, $0x38;
	[tilespmem:$0x1E000] =	vst v63  }
0xcf: {  	_ =	swait.ge [sflag:s18], $0x1900  }
0xd0: {  	[sflag:s18] =	ssyncset.done $0x0  }
0xd1: {  	[sflag:s18] =	ssyncadd.s32 $0xFFFFE700  }
0xd2: {  	_ =	swait.ge [sflag:s22], $0x1900  }
0xd3: {  	[sflag:s22] =	ssyncset.done $0x0  }
0xd4: {  	[sflag:s22] =	ssyncadd.s32 $0xFFFFE700  }
0xd5: {  	_ =	swait.ge [sflag:s26], $0x1900  }
0xd6: {  	[sflag:s26] =	ssyncset.done $0x0  }
0xd7: {  	[sflag:s26] =	ssyncadd.s32 $0xFFFFE700  }
0xd8: {  	_ =	swait.ge [sflag:s31], $0x1900  }
0xd9: {  	[sflag:s31] =	ssyncset.done $0x0  }
0xda: {  	[sflag:s31] =	ssyncadd.s32 $0xFFFFE700  }
0xdb: {  	_ =	swait.ge [sflag:s5], $0x1900  }
0xdc: {  	[sflag:s5] =	ssyncset.done $0x0  }
0xdd: {  	[sflag:s5] =	ssyncadd.s32 $0xFFFFE700  }
0xde: {  	_ =	swait.ge [sflag:s7], $0x1900  }
0xdf: {  	[sflag:s7] =	ssyncset.done $0x0  }
0xe0: {  	[sflag:s7] =	ssyncadd.s32 $0xFFFFE700  }
0xe1: {  	_ =	swait.ge [sflag:s9], $0x1900  }
0xe2: {  	[sflag:s9] =	ssyncset.done $0x0  }
0xe3: {  	[sflag:s9] =	ssyncadd.s32 $0xFFFFE700  }
0xe4: {  	_ =	swait.ge [sflag:s11], $0x1900  }
0xe5: {  	s13 =	rddreg [dreg:$0xe]  }
0xe6: {  	s15 =	rddreg [dreg:$0xc];
	s13 =	sadd.s32 $0x1, s13  }
0xe7: {  	p0 =	sne.s32 s13, s15  }
.Ltmp1:
0xe8: {  	_ = 	snop;
	(pc) =	sbr.rel @p0 .LBB2_1-.Ltmp1, $3  }
0xe9: {  	_ =	sdelay $0x1  }
0xea: {  	[sflag:s11] =	ssyncset.done $0x0  }
0xeb: {  	[sflag:s11] =	ssyncadd.s32 $0xFFFFE700  }
0xec: {  	_ =	sfence.sel $0x180000  }
0xed: {  	[bflag:$0x0] =	sbarrier.arrive $0xFFFF  }
0xee: {  	_ =	strace $0x90000047  }
0xef: {  	s0 =	stileid.u32;
	[bflag:$0x2] =	sbarrier.arrive $0xFFFF  }
0xf0: {  	p0 =	sne.s32 s0, $0x0;
	s0 =	rddreg [dreg:$0x2]  }
0xf1: {  	s0 =	sadd.s32 @!p0 $0x100000, s0  }
0xf2: {  	[sflag:s0] =	ssyncadd.tile.s32 @!p0 $0x1;
	_ =	shalt  }
.Lfunc_end2:
_tile_overlayer_lowered:
.L_overlay_start_2:
0xf3: {  	(tag) =	ssettag $0x2  }
0xf4: {  	s0 =	rddreg [dreg:$0x0];
	s2 =	stileid.u32  }
0xf5: {  	s1 =	rddreg [dreg:$0x1];
	p0 =	sne.s32 s2, $0x0  }
0xf6: {  	s3 =	rddreg [dreg:$0x2];
	[bflag:$0x3] =	sbarrier.arrive $0xFFFF;
	s2 =	simm.s32 @!p0 $0x1C11  }
0xf7: {  	[timem:s3], [sflag:s2] =	dma.local @!p0 [hbm:s0], s1  }
0xf8: {  	s0 =	simm.s32 @!p0 $0x11  }
0xf9: {  	_ =	swait.ge @!p0 [sflag:s0], s1  }
0xfa: {  	s1 =	ssub.s32 @!p0 $0x0, s1;
	[sflag:s0] =	ssyncset.done @!p0 $0x0  }
0xfb: {  	[sflag:s0] =	ssyncadd.s32 @!p0 s1  }
0xfc: {  	[bflag:$0x3] =	sbarrier.arrive $0xFFFF  }
0xfd: {  	_ =	shalt  }

// kernel: sparse-core-data-format-call.cloned.1.call-start
scs
called_computation_lowered:
.L_overlay_start_0:
0x0: {  	s2 =	sld [smem:$0x3FD9]  }
0x1: {  	s3 =	sld [smem:$0x3FFE];
	_ =	sdelay $0x1  }
0x2: {  	s1 =	srdreg.scid  }
0x3: {  	s0 =	sand.u32 $0x1, s1  }
0x4: {  	s18 =	sshll.u32 s0, $0xA;
	s2 =	sadd.s32 s3, s2  }
0x5: {  	s2 =	sadd.s32 s2, s18  }
0x6: {  	[smem:$0x3FC6] =	sst s2  }
0x7: {  	_ = 	snop  }
0x8: {  	s2 =	sld [smem:$0x3FD0];
	(tm) =	ssettm $0x1  }
0x9: {  	s19 =	sld [smem:$0x3FFB];
	_ =	sdelay $0x3  }
0xa: {  	_ =	strace s19  }
0xb: {  	s3 =	sld [smem:$0x3FFC];
	_ =	sdelay $0x3  }
0xc: {  	_ =	strace s3  }
0xd: {  	s3 =	sld [smem:$0x3FFD];
	_ =	sdelay $0x3  }
0xe: {  	_ =	strace s3  }
0xf: {  	_ =	strace $0x8FFFFFFF  }
0x10: {  	s20 =	sld [smem:$0x3FDB];
	_ =	sdelay $0x1  }
0x11: {  	s4 =	simm.s32 $_scs_section_size  }
0x12: {  	s5 =	simm.s32 $_size__tile_overlayer_lowered;
	s6 =	simm.s32 $_tile_overlayer_lowered  }
0x13: {  	s23 =	simm.s32 $0x1BFF;
	s22 =	sshll.u32 s6, $0x1;
	s3 =	sadd.s32 s4, s20  }
0x14: {  	s7 =	simm.s32 $0x0;
	s21 =	sshll.u32 s5, $0x1;
	s5 =	sadd.s32 s22, s3  }
0x15: {  	[timem:s7], [sflag:s23] =	dma.local [hbm:s5], s21  }
0x16: {  	_ =	swait.ge [sflag:s23], s21  }
0x17: {  	s4 =	ssub.s32 $0x0, s21;
	[sflag:s23] =	ssyncset.done $0x0  }
0x18: {  	[sflag:s23] =	ssyncadd.s32 s4;
	_ =	sdelay $0x1  }
0x19: {  	s24 =	simm.s32 $0x1B8B  }
0x1a: {  	_ =	swait.ge [sflag:s24], $0x1  }
0x1b: {  	[sflag:s24] =	ssyncset.done $0x0  }
0x1c: {  	s26 =	simm.s32 $0x1B8E;
	s25 =	sld [smem:$0x3FFE];
	[sflag:s24] =	ssyncadd.s32 $0xFFFFFFFF  }
0x1d: {  	s27 =	simm.s32 $execute0_lowered;
	[smem:$0x3FD2] =	sst s26  }
0x1e: {  	s5 =	sshll.u32 s27, $0x1;
	_ =	strace $0x80000049;
	[dreg:$0x1] =	wrdreg $0xFFFFFFFF  }
0x1f: {  	s28 =	simm.s32 $_size_execute0_lowered;
	s3 =	sadd.s32 s3, s5;
	[dreg:$0x0] =	wrdreg $0x0  }
0x20: {  	s5 =	sshll.u32 s28, $0x1;
	[dreg:$0x2] =	wrdreg s3  }
0x21: {  	[dreg:$0x3] =	wrdreg s5  }
0x22: {  	[dreg:$0x4] =	wrdreg $0xC0  }
0x23: {  	_ =	task [dreg:s7], $0x5FFFF  }
0x24: {  	[dreg:$0x1] =	wrdreg $0xFFFFFFFF  }
0x25: {  	[dreg:$0x0] =	wrdreg $0x60  }
0x26: {  	[dreg:$0x2] =	wrdreg s25  }
0x27: {  	[dreg:$0x3] =	wrdreg s2  }
0x28: {  	[dreg:$0x4] =	wrdreg $0x9  }
0x29: {  	_ =	task.clear_ibuf [dreg:s7], $0x5FFFF;
	_ =	strace $0x90000049  }
0x2a: {  	s29 =	simm.s32 $0x9;
	_ =	strace $0x8000004B  }
0x2b: {  	_ =	swait.ge [sflag:s29], $0x1  }
0x2c: {  	[sflag:s29] =	ssyncadd.s32 $0xFFFFFFFF  }
0x2d: {  	_ =	strace $0x9000004B  }
0x2e: {  	_ =	sfence  }
0x2f: {  	s30 =	sld [smem:$0x0];
	_ =	sdelay $0x2  }
0x30: {  	s31 =	sshll.u32 s1, $0xD;
	s1 =	sshrl.u32 s1, $0x2  }
0x31: {  	s3 =	sand.u32 $0x4000, s31;
	s1 =	sadd.s32 s1, s30  }
0x32: {  	s0 =	sor.u32 s3, s0;
	s1 =	sshll.u32 s1, $0x11  }
0x33: {  	s0 =	sor.u32 s1, s0  }
0x34: {  	s0 =	sadd.s32 $0x8F2B, s0  }
0x35: {  	[sflag:s0] =	ssyncadd.remote.s32 $0x1  }
0x36: {  	_ =	sfence.sel $0xFFFF  }
0x37: {  	[dreg:$0x0] =	wrdreg $0xFFFFFFFF;
	(pc) =	sbr.abs _section_cstart, $3  }
0x38: {  	[dreg:$0x1] =	wrdreg $0xFFFFFFFF  }
0x39: {  	_ =	task.clear_ibuf [dreg:s7], $0x2FFFF;
	_ =	strace $0x9FFFFFFF  }
0x3a: {  	(tm) =	ssettm $0x7FFFFFFF  }
0x3b: {  	_ =	shalt  }
tec
execute0_lowered:
.L_overlay_start_1:
0x0: {  	(tag) =	ssettag $0x1  }
0x1: {  	s0 =	srdreg.scid  }
0x2: {  	s1 =	sshll.u32 s0, $0x4  }
0x3: {  	s0 =	stileid.u32;
	s1 =	sand.u32 $0x10, s1  }
0x4: {  	s1 =	sor.u32 s0, s1  }
0x5: {  	s6 =	rddreg [dreg:$0x0];
	s4 =	simm.s32 $0x1;
	s2 =	sshll.u32 s1, $0x7  }
0x6: {  	s7 =	simm.s32 $0x2;
	s12 =	simm.s32 $0x0;
	s1 =	ssub.s32 $0x4000, s2  }
0x7: {  	s8 =	simm.s32 $0x20000;
	s13 =	simm.s32 $0x0;
	s3 =	sand.u32 $0xF80, s1  }
0x8: {  	s9 =	simm.s32 $0x0;
	s5 =	sshrl.u32 s1, $0xC;
	p0 =	sne.s32 s3, $0x0  }
.Ltmp0:
0x9: {  	s1 =	rddreg [dreg:$0x2];
	s4 =	simm.s32 @!p0 $0x0;
	(pc) =	sbr.rel .LBB1_1-.Ltmp0, $4  }
0xa: {  	s11 =	simm.s32 $0x0;
	s3 =	rddreg [dreg:$0x1];
	s5 =	sadd.s32 s4, s5  }
0xb: {  	_ =	strace $0x8000004A;
	s4 =	simm.s32 $0x1;
	s5 =	smul.u32 $0x32, s5  }
0xc: {  	s6 =	sadd.s32 $0xA00, s6;
	s10 =	smov.u32 s2;
	[sflag:s4] =	ssyncpa.u1 $0x0  }
0xd: {  	p0 =	por $0x0, $0x0;
	[sflag:s7] =	ssyncpa.u1 $0x0;
	s7 =	sor.u32 $0x1, s5  }
.LBB1_4:
0xe: {  	s16 =	sshll.u32 s13, $0x3;
	s17 =	sand.u32 $0x78, s13  }
0xf: {  	s30 =	sand.u32 $0x1F800, s13;
	s12 =	sshll.u32 s12, $0x11;
	s16 =	sand.u32 $0x3C00, s16  }
0x10: {  	[tilespmem:s15+$0x810 ss:$0x81] =	vst.msk $0xffff, v2;
	s31 =	sand.u32 $0x7, s13;
	s16 =	sor.u32 s17, s16;
	s17 =	sadd.s32 s3, s30  }
0x11: {  	[tilespmem:s15+$0x1020 ss:$0x81] =	vst.msk $0xffff, v0;
	s13 =	sshll.u32 s31, $0x12;
	s12 =	sadd.s32 s12, s17;
	s16 =	sshrl.u32 s16, $0x3  }
0x12: {  	[tilespmem:s15+$0x0 ss:$0x81] =	vst.msk $0xffff, v1;
	s13 =	sor.u32 $0x400, s13;
	s12 =	sadd.s32 s16, s12  }
0x13: {  	[hbm4b:s12+s13] =	stream.strided.scatter [tilespmem:s14], [sflag:$0x2], $0x2000, s8, s13, $0x20;
	[tilespmem:$0x8080] =	vst v63  }
.LBB1_5:
0x14: {  	s14 =	sadd.s32 $0x1, s9  }
0x15: {  	s12 =	sadd.s32 $0x1000, s10;
	s16 =	smov.u32 s10;
	p2 =	sgt.s32 s14, $0x31  }
0x16: {  	s16 =	smov.u32 @p2 s12  }
0x17: {  	s14 =	simm.s32 @p2 $0x0;
	p2 =	sgt.s32 s16, $0x3FFF  }
0x18: {  	s16 =	smov.u32 @p2 s2;
	p2 =	sne.s32 s11, s7  }
.Ltmp1:
0x19: {  	p1 =	slt.u32 s11, $0x2;
	(pc) =	sbr.rel @!p2 .LBB1_6-.Ltmp1, $4  }
0x1a: {  	s15 =	simm.s32 @!p1 $0x2  }
0x1b: {  	s13 =	smov.u32 s10;
	p0 =	por !p0, !p0;
	_ =	swait.ge @!p1 [sflag:s15], $0x2000  }
0x1c: {  	s12 =	smov.u32 s9;
	[sflag:s15] =	ssyncset.done @!p1 $0x0;
	s9 =	smov.u32 s14  }
0x1d: {  	s11 =	sadd.s32 $0x1, s11;
	[sflag:s15] =	ssyncadd.s32 @!p1 $0xFFFFE000;
	s10 =	smov.u32 s16  }
.LBB1_1:
0x1e: {  	p1 =	sge.u32 s11, s5  }
0x1f: {  	s14 =	sand.u32 @!p1 $0x1FFFFFF, s9  }
0x20: {  	s15 =	smulhi.u32 @!p1 $0x4924925, s14;
	_ =	sdelay $0x1  }
0x21: {  	s15 =	smul.u32 @!p1 $0x38, s15  }
0x22: {  	s16 =	sxor.u32 @!p1 $0xFFFFFFFF, s11;
	s17 =	smul.u32 @!p1 $0x380, s10  }
0x23: {  	s31 =	sadd.s32 $0xFFFFFFFF, s11;
	s16 =	sshll.u32 @!p1 s16, $0xD;
	s14 =	ssub.s32 @!p1 s14, s15  }
0x24: {  	s15 =	sand.u32 @!p1 $0x2000, s16;
	s16 =	sadd.s32 @!p1 s6, s17;
	s14 =	sshll.u32 @!p1 s14, $0x4  }
0x25: {  	s17 =	simm.s32 @!p1 $0x1C00;
	s14 =	sadd.s32 @!p1 s14, s16;
	s16 =	simm.s32 @!p1 $0x40  }
0x26: {  	[tilespmem:s15], [sflag:$0x1] =	stream.strided.gather @!p1 [hbm4b:s14+s16], $0x2000, s17, s16, $0x38;
	[tilespmem:$0x8080] =	vst v63  }
0x27: {  	p1 =	sge.u32 s31, s5  }
.Ltmp2:
0x28: {  	_ = 	snop;
	(pc) =	sbr.rel @p1 .LBB1_5-.Ltmp2, $1  }
0x29: {  	_ =	sdelay $0x3  }
0x2a: {  	s14 =	simm.s32 $0x1  }
0x2b: {  	_ =	swait.ge [sflag:s4], $0x2000;
	s14 =	simm.s32 @!p0 $0x0  }
0x2c: {  	[sflag:s4] =	ssyncset.done $0x0;
	s15 =	sshll.u32 s14, $0xD  }
0x2d: {  	[sflag:s4] =	ssyncadd.s32 $0xFFFFE000;
	s18 =	sor.u32 $0x20, s15  }
0x2e: {  	s14 =	smul.u32 $0x8100, s14;
	v3 =	vld [tilespmem:s18+$0x10]  }
0x2f: {  	s30 =	sand.u32 $0x1, s11;
	v2 =	vld [tilespmem:s18+$0xFFFFFFF0]  }
0x30: {  	s15 =	smul.u32 $0x8100, s30;
	s14 =	sshrl.u32 s14, $0x2;
	v0 =	vld [tilespmem:s18+$0x0]  }
0x31: {  	v1 =	vld [tilespmem:s18+$0xFFFFFFE0];
	s16 =	sor.u32 $0x4000, s14  }
0x32: {  	s31 =	sshrl.u32 s15, $0x2;
	s15 =	sadd.s32 $0x0, s16  }
0x33: {  	s17 =	simm.s32 $0x4;
	s18 =	sadd.s32 $0x40, s18;
	s14 =	sor.u32 $0x4000, s31;
	[tilespmem:s15+$0x1830 ss:$0x81] =	vst.msk $0xffff, v3  }
.LBB1_3:
0x34: {  	v3 =	vld [tilespmem:s18+$0x10];
	p1 =	sne.s32 s17, $0x1FC;
	[tilespmem:s15+$0x810 ss:$0x81] =	vst.msk $0xffff, v2;
	s19 =	smov.u32 s17;
	s17 =	sadd.s32 $0x4, s17  }
.Ltmp3:
0x35: {  	v2 =	vld [tilespmem:s18+$0xFFFFFFF0];
	[tilespmem:s15+$0x1020 ss:$0x81] =	vst.msk $0xffff, v0;
	(pc) =	sbr.rel @p1 .LBB1_3-.Ltmp3, $4  }
0x36: {  	v0 =	vld [tilespmem:s18+$0x0];
	[tilespmem:s15+$0x0 ss:$0x81] =	vst.msk $0xffff, v1  }
0x37: {  	s15 =	sshra.s32 s19, $0x2;
	v1 =	vld [tilespmem:s18+$0xFFFFFFE0]  }
0x38: {  	s15 =	sadd.s32 s15, s16  }
0x39: {  	s18 =	sadd.s32 $0x40, s18;
	[tilespmem:s15+$0x1830 ss:$0x81] =	vst.msk $0xffff, v3  }
.Ltmp4:
0x3a: {  	_ = 	snop;
	(pc) =	sbr.rel .LBB1_4-.Ltmp4, $1  }
0x3b: {  	_ =	sdelay $0x3  }
.LBB1_6:
0x3c: {  	_ =	sfence.sel $0x180000  }
0x3d: {  	s2 =	simm.s32 $0x1;
	[bflag:$0x0] =	sbarrier.arrive $0xFFFF  }
0x3e: {  	s31 =	simm.s32 $0x2;
	[sflag:s2] =	ssyncpa.u1 $0x1  }
0x3f: {  	[sflag:s31] =	ssyncpa.u1 $0x1  }
0x40: {  	p0 =	sne.s32 s0, $0x0;
	_ =	strace $0x9000004A  }
0x41: {  	s0 =	sadd.s32 @!p0 $0x100000, s1;
	[bflag:$0x2] =	sbarrier.arrive $0xFFFF  }
0x42: {  	[sflag:s0] =	ssyncadd.tile.s32 @!p0 $0x1;
	_ =	shalt  }
.Lfunc_end1:
_tile_overlayer_lowered:
.L_overlay_start_2:
0x43: {  	(tag) =	ssettag $0x2  }
0x44: {  	s0 =	rddreg [dreg:$0x0];
	s2 =	stileid.u32  }
0x45: {  	s1 =	rddreg [dreg:$0x1];
	p0 =	sne.s32 s2, $0x0  }
0x46: {  	s3 =	rddreg [dreg:$0x2];
	[bflag:$0x3] =	sbarrier.arrive $0xFFFF;
	s2 =	simm.s32 @!p0 $0x1C01  }
0x47: {  	[timem:s3], [sflag:s2] =	dma.local @!p0 [hbm:s0], s1  }
0x48: {  	s0 =	simm.s32 @!p0 $0x1  }
0x49: {  	_ =	swait.ge @!p0 [sflag:s0], s1  }
0x4a: {  	s1 =	ssub.s32 @!p0 $0x0, s1;
	[sflag:s0] =	ssyncset.done @!p0 $0x0  }
0x4b: {  	[sflag:s0] =	ssyncadd.s32 @!p0 s1  }
0x4c: {  	[bflag:$0x3] =	sbarrier.arrive $0xFFFF  }
0x4d: {  	_ =	shalt  }

</sc_bundles>
